<compile_context>
chip_gen: v7x
topology: tpu7x:2x2x1
jax: 0.10.2.dev20260603
libtpu: 0.0.44.dev20260713+nightly
codegen_flags: <defaults>
</compile_context>

<pallas_src>
import functools

import jax
import jax.numpy as jnp
from jax import lax
from jax.experimental import pallas as pl
from jax.experimental.pallas import tpu as pltpu
from jax.experimental.pallas import tpu_sc as plsc

N_SRC = 10000
N_DST = 10000
E = 320000
D = 128

NC = 2
NS = 16
L = 16
NW = NC * NS
CHUNK = 128
NROWS = E // CHUNK
STEPS = 80
NROWS_PAD = NW * STEPS
N_PAD = 10240
HR = N_PAD // D
ROWS_PER_TILE = N_PAD // NS
WB = 128

_sc_mesh = plsc.VectorSubcoreMesh(
    core_axis_name="c", subcore_axis_name="s", num_cores=NC, num_subcores=NS)


@functools.partial(
    pl.kernel,
    out_type=(
        jax.ShapeDtypeStruct((NC, N_PAD, D), jnp.float32),
        jax.ShapeDtypeStruct((NC, HR, D), jnp.float32),
    ),
    mesh=_sc_mesh,
    compiler_params=pltpu.CompilerParams(
        use_tc_tiling_on_sc=False, needs_layout_passes=False),
    scratch_types=[
        pltpu.VMEM((2, CHUNK), jnp.int32),
        pltpu.VMEM((2, CHUNK), jnp.int32),
        pltpu.VMEM((2, CHUNK), jnp.int32),
        pltpu.VMEM((2, CHUNK), jnp.int32),
        pltpu.VMEM((2, CHUNK, D), jnp.float32),
        pltpu.VMEM((HR, D), jnp.float32),
        pltpu.VMEM((1, HR), jnp.int32),
        pltpu.VMEM_SHARED((N_PAD, D), jnp.float32),
        pltpu.VMEM_SHARED((HR, D), jnp.float32),
        pltpu.SemaphoreType.DMA,
        pltpu.SemaphoreType.DMA,
        pltpu.SemaphoreType.DMA,
        pltpu.SemaphoreType.DMA,
        pltpu.SemaphoreType.DMA,
        pltpu.SemaphoreType.DMA,
    ],
)
def _sc_aggregate(feat_hbm, src_hbm, dst_hbm, psum_hbm, pdeg_hbm,
                  idx_s, idx_d, nidx_s, nidx_d, rows, hist, idrows,
                  acc_sp, deg_sp, gsem0, gsem1, ssem0, ssem1, isem0, isem1):
    cid = lax.axis_index("c")
    sid = lax.axis_index("s")
    wid = sid * NC + cid
    base = sid * ROWS_PER_TILE
    ones16 = jnp.ones((L,), jnp.float32)

    def _fill_f(i, _):
        rows[0, i // (D // L), pl.ds((i % (D // L)) * L, L)] = (
            jnp.zeros((L,), jnp.float32))
        return 0
    lax.fori_loop(0, WB * (D // L), _fill_f, 0)

    def _fill_h(i, _):
        hist[i // (D // L), pl.ds((i % (D // L)) * L, L)] = (
            jnp.zeros((L,), jnp.float32))
        return 0
    lax.fori_loop(0, HR * (D // L), _fill_h, 0)

    for j in range(HR // L):
        idrows[0, pl.ds(j * L, L)] = lax.iota(jnp.int32, L) + (j * L)

    def _zinit(i, _):
        pltpu.sync_copy(rows.at[0], acc_sp.at[pl.ds(base + i * WB, WB)])
        return 0
    lax.fori_loop(0, ROWS_PER_TILE // WB, _zinit, 0)

    @pl.when(sid == 0)
    def _():
        pltpu.sync_copy(hist, deg_sp)
    plsc.subcore_barrier()

    gsems = (gsem0, gsem1)
    ssems = (ssem0, ssem1)
    isems = (isem0, isem1)

    def _load_idx(b, r):
        pltpu.async_copy(src_hbm.at[r], idx_s.at[b], isems[b])
        pltpu.async_copy(dst_hbm.at[r], idx_d.at[b], isems[b])

    def _wait_idx(b):
        pltpu.make_async_copy(src_hbm.at[0], idx_s.at[b], isems[b]).wait()
        pltpu.make_async_copy(dst_hbm.at[0], idx_d.at[b], isems[b]).wait()

    def _gather(b):
        pltpu.async_copy(feat_hbm.at[idx_s.at[b]], rows.at[b], gsems[b])

    def _wait_gather(b):
        pltpu.make_async_copy(feat_hbm.at[pl.ds(0, CHUNK)], rows.at[b],
                              gsems[b]).wait()

    def _scatter(b):
        pltpu.async_copy(rows.at[b], acc_sp.at[idx_d.at[b]], ssems[b],
                         add=True)

    def _wait_scatter(b):
        pltpu.make_async_copy(rows.at[b], acc_sp.at[pl.ds(0, CHUNK)],
                              ssems[b]).wait()

    def _hist(b):
        for j in range(CHUNK // L):
            idxv = idx_d[b, pl.ds(j * L, L)]
            rowi = lax.shift_right_logical(idxv, 7)
            coli = lax.bitwise_and(idxv, D - 1)
            plsc.addupdate_scatter(hist, [rowi, coli], ones16)

    pltpu.sync_copy(src_hbm.at[wid], idx_s.at[0])
    pltpu.sync_copy(dst_hbm.at[wid], idx_d.at[0])
    pltpu.sync_copy(src_hbm.at[wid + NW], idx_s.at[1])
    pltpu.sync_copy(dst_hbm.at[wid + NW], idx_d.at[1])
    _gather(0)
    _gather(1)

    def _pair(m, _):
        not_last = m < STEPS // 2 - 1

        @pl.when(not_last)
        def _():
            r2 = wid + (2 * m + 2) * NW
            pltpu.async_copy(src_hbm.at[r2], nidx_s.at[0], isem0)
            pltpu.async_copy(dst_hbm.at[r2], nidx_d.at[0], isem0)
            pltpu.async_copy(src_hbm.at[r2 + NW], nidx_s.at[1], isem0)
            pltpu.async_copy(dst_hbm.at[r2 + NW], nidx_d.at[1], isem0)

        _wait_gather(0)
        _scatter(0)
        _hist(0)
        _wait_gather(1)
        _scatter(1)
        _hist(1)

        @pl.when(not_last)
        def _():
            for b in range(2):
                pltpu.make_async_copy(src_hbm.at[0], nidx_s.at[b],
                                      isem0).wait()
                pltpu.make_async_copy(dst_hbm.at[0], nidx_d.at[b],
                                      isem0).wait()
            _wait_scatter(0)
            for j in range(CHUNK // L):
                idx_s[0, pl.ds(j * L, L)] = nidx_s[0, pl.ds(j * L, L)]
                idx_d[0, pl.ds(j * L, L)] = nidx_d[0, pl.ds(j * L, L)]
            _gather(0)
            _wait_scatter(1)
            for j in range(CHUNK // L):
                idx_s[1, pl.ds(j * L, L)] = nidx_s[1, pl.ds(j * L, L)]
                idx_d[1, pl.ds(j * L, L)] = nidx_d[1, pl.ds(j * L, L)]
            _gather(1)
        return 0
    lax.fori_loop(0, STEPS // 2, _pair, 0)
    _wait_scatter(0)
    _wait_scatter(1)

    pltpu.sync_copy(hist, deg_sp.at[idrows.at[0]], add=True)
    plsc.subcore_barrier()

    def _flush(i, _):
        off = base + i * WB
        pltpu.sync_copy(acc_sp.at[pl.ds(off, WB)],
                        psum_hbm.at[cid, pl.ds(off, WB)])
        return 0
    lax.fori_loop(0, ROWS_PER_TILE // WB, _flush, 0)

    @pl.when(sid == 0)
    def _():
        pltpu.sync_copy(deg_sp, hist)
        pltpu.sync_copy(hist, pdeg_hbm.at[cid])


BLK = 640


def _tc_body(psum_ref, deg_ref, fdst_ref, ws_ref, wn_ref, b_ref, out_ref):
    neigh_sum = psum_ref[0] + psum_ref[1]
    deg = deg_ref[0] + deg_ref[1]
    h_neigh = neigh_sum / jnp.maximum(deg, 1.0)
    self_proj = lax.dot_general(fdst_ref[...], ws_ref[...],
                                (((1,), (1,)), ((), ())),
                                preferred_element_type=jnp.float32)
    neigh_proj = lax.dot_general(h_neigh, wn_ref[...],
                                 (((1,), (1,)), ((), ())),
                                 preferred_element_type=jnp.float32)
    out_ref[...] = self_proj + neigh_proj + b_ref[...]


_tc_combine = pl.pallas_call(
    _tc_body,
    grid=(N_PAD // BLK,),
    in_specs=[
        pl.BlockSpec((NC, BLK, D), lambda i: (0, i, 0)),
        pl.BlockSpec((NC, BLK, 1), lambda i: (0, i, 0)),
        pl.BlockSpec((BLK, D), lambda i: (i, 0)),
        pl.BlockSpec((D, D), lambda i: (0, 0)),
        pl.BlockSpec((D, D), lambda i: (0, 0)),
        pl.BlockSpec((1, D), lambda i: (0, 0)),
    ],
    out_specs=pl.BlockSpec((BLK, D), lambda i: (i, 0)),
    out_shape=jax.ShapeDtypeStruct((N_DST, D), jnp.float32),
)


def kernel(feat_src, feat_dst, edge_index, W_self, b_self, W_neigh, b_neigh):
    pad = NROWS_PAD * CHUNK - E
    ar = jnp.arange(pad, dtype=jnp.int32)
    src = jnp.concatenate(
        [edge_index[0].astype(jnp.int32), ar % N_SRC]
    ).reshape(NROWS_PAD, CHUNK)
    dst = jnp.concatenate(
        [edge_index[1].astype(jnp.int32), N_DST + ar % (N_PAD - N_DST)]
    ).reshape(NROWS_PAD, CHUNK)
    psum, pdeg = _sc_aggregate(feat_src, src, dst)
    deg_col = pdeg.reshape(NC, N_PAD, 1)
    bias = (b_self + b_neigh).reshape(1, D)
    return _tc_combine(psum, deg_col, feat_dst, W_self, W_neigh, bias)

# --- scband reference (transcript-rebuilt; emitter-appended) ---
"""Pipeline reference for scband-sageconv-bigraph-1872605741717 (READ-ONLY COPY).

The authoritative reference and input builder live on the scoring server;
editing this copy changes nothing except your own understanding.
"""

import jax, jax.numpy as jnp
import numpy as np

N_SRC = 10000
N_DST = 10000
E = 320000
D_IN = 128
D_OUT = 128


def _xavier(key, fan_out, fan_in, gain):
    a = gain * np.sqrt(6.0 / (fan_in + fan_out))
    return jax.random.uniform(key, (fan_out, fan_in), dtype=jnp.float32, minval=-a, maxval=a)


def setup_inputs(seed: int = 0) -> dict:
    key = jax.random.key(seed)
    k1, k2, k3, k4, k5 = jax.random.split(key, 5)
    feat_src = jax.random.normal(k1, (N_SRC, D_IN), dtype=jnp.float32)
    feat_dst = jax.random.normal(k2, (N_DST, D_IN), dtype=jnp.float32)
    edge_index = jax.random.randint(k3, (2, E), 0, N_SRC, dtype=jnp.int64)
    gain = np.sqrt(2.0)  # calculate_gain('relu')
    W_self = _xavier(k4, D_OUT, D_IN, gain)
    W_neigh = _xavier(k5, D_OUT, D_IN, gain)
    b_self = jnp.zeros((D_OUT,), dtype=jnp.float32)
    b_neigh = jnp.zeros((D_OUT,), dtype=jnp.float32)
    return {
        "feat_src": feat_src,
        "feat_dst": feat_dst,
        "edge_index": edge_index,
        "W_self": W_self,
        "b_self": b_self,
        "W_neigh": W_neigh,
        "b_neigh": b_neigh,
    }


def reference(feat_src, feat_dst, edge_index, W_self, b_self, W_neigh, b_neigh):
    # SAGEConv bipartite, aggregator_type='mean':
    #   h_neigh[v] = mean_{u in N(v)} feat_src[u]
    #   rst = fc_self(feat_dst) + fc_neigh(h_neigh)
    src = edge_index[0]
    dst = edge_index[1]
    msgs = jnp.take(feat_src, src, axis=0)                      # gather  [E, D_IN]
    neigh_sum = jax.ops.segment_sum(msgs, dst, num_segments=N_DST)
    deg = jax.ops.segment_sum(jnp.ones((E,), dtype=jnp.float32), dst, num_segments=N_DST)
    # DGL mean-reduce leaves isolated dst nodes at 0
    h_neigh = neigh_sum / jnp.maximum(deg, 1.0)[:, None]
    rst = feat_dst @ W_self.T + b_self + h_neigh @ W_neigh.T + b_neigh
    return rst

if __name__ == "__main__":
    import jax
    _d = setup_inputs()
    print(jax.jit(kernel)(*tuple(_d.values())))

</pallas_src>

<mosaic_0001>
#map = affine_map<(d0, d1) -> (0, 0)>
#map1 = affine_map<(d0, d1) -> (0, 0, 0)>
module attributes {stable_mosaic.version = 14 : i64} {
  func.func @_sc_aggregate(%arg0: i32, %arg1: i32, %arg2: memref<10000x128xf32, #tpu.memory_space<hbm>>, %arg3: memref<2560x128xi32, #tpu.memory_space<hbm>>, %arg4: memref<2560x128xi32, #tpu.memory_space<hbm>>, %arg5: memref<2x10240x128xf32, #tpu.memory_space<hbm>>, %arg6: memref<2x80x128xf32, #tpu.memory_space<hbm>>, %arg7: memref<2x128xi32, #tpu.memory_space<vmem>>, %arg8: memref<2x128xi32, #tpu.memory_space<vmem>>, %arg9: memref<2x128xi32, #tpu.memory_space<vmem>>, %arg10: memref<2x128xi32, #tpu.memory_space<vmem>>, %arg11: memref<2x128x128xf32, #tpu.memory_space<vmem>>, %arg12: memref<80x128xf32, #tpu.memory_space<vmem>>, %arg13: memref<1x80xi32, #tpu.memory_space<vmem>>, %arg14: memref<10240x128xf32, #tpu.memory_space<vmem_shared>>, %arg15: memref<80x128xf32, #tpu.memory_space<vmem_shared>>, %arg16: memref<!tpu.dma_semaphore, #tpu.memory_space<semaphore_mem>>, %arg17: memref<!tpu.dma_semaphore, #tpu.memory_space<semaphore_mem>>, %arg18: memref<!tpu.dma_semaphore, #tpu.memory_space<semaphore_mem>>, %arg19: memref<!tpu.dma_semaphore, #tpu.memory_space<semaphore_mem>>, %arg20: memref<!tpu.dma_semaphore, #tpu.memory_space<semaphore_mem>>, %arg21: memref<!tpu.dma_semaphore, #tpu.memory_space<semaphore_mem>>) attributes {dimension_semantics = [#tpu.dimension_semantics<core_parallel>, #tpu.dimension_semantics<subcore_parallel>], iteration_bounds = array<i64: 2, 16>, scalar_prefetch = 0 : i64, scratch_operands = 15 : i64, tpu.core_type = #tpu.core_type<sc_vector_subcore>, window_params = [{transform_indices = #map}, {transform_indices = #map}, {transform_indices = #map}, {transform_indices = #map1}, {transform_indices = #map1}]} {
    %mul3A = arith.constant 2 : i32
    %mul3A_0 = arith.muli %arg1, %mul3A : i32
    %add3A = arith.addi %mul3A_0, %arg0 : i32
    %mul3A_1 = arith.constant 640 : i32
    %mul3A_2 = arith.muli %arg1, %mul3A_1 : i32
    %broadcast_in_dim3A = arith.constant 1.000000e+00 : f32
    %broadcast_in_dim3A_3 = vector.broadcast %broadcast_in_dim3A : f32 to vector<16xf32>
    %scan3A = arith.constant 0 : i32
    %scan3A_4 = arith.constant 0 : i32
    %scan3A_5 = arith.constant 1024 : i32
    %scan3A_6 = arith.addi %scan3A_4, %scan3A_5 : i32
    %scan3A_7 = arith.constant 1 : i32
    %scan3A_8 = scf.for %scan3A_144 = %scan3A_4 to %scan3A_6 step %scan3A_7 iter_args(%scan3A_145 = %scan3A) -> (i32)  : i32 {
      %broadcast_in_dim3A_146 = arith.constant 0.000000e+00 : f32
      %broadcast_in_dim3A_147 = vector.broadcast %broadcast_in_dim3A_146 : f32 to vector<16xf32>
      %jit3A = arith.constant 8 : i32
      %div3A = arith.divsi %scan3A_144, %jit3A : i32
      %sign3A = arith.constant 0 : i32
      %sign3A_148 = arith.cmpi sgt, %scan3A_144, %sign3A : i32
      %sign3A_149 = arith.extui %sign3A_148 : i1 to i32
      %sign3A_150 = arith.constant 0 : i32
      %sign3A_151 = arith.cmpi slt, %scan3A_144, %sign3A_150 : i32
      %sign3A_152 = arith.extui %sign3A_151 : i1 to i32
      %sign3A_153 = arith.subi %sign3A_149, %sign3A_152 : i32
      %sign3A_154 = arith.constant 0 : i32
      %sign3A_155 = arith.cmpi sgt, %jit3A, %sign3A_154 : i32
      %sign3A_156 = arith.extui %sign3A_155 : i1 to i32
      %sign3A_157 = arith.constant 0 : i32
      %sign3A_158 = arith.cmpi slt, %jit3A, %sign3A_157 : i32
      %sign3A_159 = arith.extui %sign3A_158 : i1 to i32
      %sign3A_160 = arith.subi %sign3A_156, %sign3A_159 : i32
      %ne3A = arith.cmpi ne, %sign3A_153, %sign3A_160 : i32
      %rem3A = arith.remsi %scan3A_144, %jit3A : i32
      %ne3A_161 = arith.constant 0 : i32
      %ne3A_162 = arith.cmpi ne, %rem3A, %ne3A_161 : i32
      %and3A = arith.andi %ne3A, %ne3A_162 : i1
      %sub3A = arith.constant 1 : i32
      %sub3A_163 = arith.subi %div3A, %sub3A : i32
      %select_n3A = arith.select %and3A, %sub3A_163, %div3A : i32
      %jit3A_164 = arith.constant 8 : i32
      %eq3A_165 = arith.constant 0 : i32
      %eq3A_166 = arith.cmpi eq, %jit3A_164, %eq3A_165 : i32
      %jit3A_167 = arith.constant 1 : i32
      %select_n3A_168 = arith.select %eq3A_166, %jit3A_167, %jit3A_164 : i32
      %rem3A_169 = arith.remsi %scan3A_144, %select_n3A_168 : i32
      %ne3A_170 = arith.constant 0 : i32
      %ne3A_171 = arith.cmpi ne, %rem3A_169, %ne3A_170 : i32
      %lt3A = arith.constant 0 : i32
      %lt3A_172 = arith.cmpi slt, %rem3A_169, %lt3A : i32
      %lt3A_173 = arith.constant 0 : i32
      %lt3A_174 = arith.cmpi slt, %select_n3A_168, %lt3A_173 : i32
      %ne3A_175 = arith.xori %lt3A_172, %lt3A_174 : i1
      %and3A_176 = arith.andi %ne3A_175, %ne3A_171 : i1
      %add3A_177 = arith.addi %rem3A_169, %select_n3A_168 : i32
      %select_n3A_178 = arith.select %and3A_176, %add3A_177, %rem3A_169 : i32
      %mul3A_179 = arith.constant 16 : i32
      %mul3A_180 = arith.muli %select_n3A_178, %mul3A_179 : i32
      %swap3A_181 = arith.constant 0 : i32
      %swap3A_182 = arith.index_cast %swap3A_181 : i32 to index
      %swap3A_183 = arith.index_cast %select_n3A : i32 to index
      %swap3A_184 = arith.index_cast %mul3A_180 : i32 to index
      %swap3A_185 = tpu.vector_load %arg11[%swap3A_182, %swap3A_183, %swap3A_184] {strides = array<i32>} : memref<2x128x128xf32, #tpu.memory_space<vmem>>, vector<16xf32>,
      tpu.vector_store %arg11[%swap3A_182, %swap3A_183, %swap3A_184], %broadcast_in_dim3A_147 {strides = array<i32>} : memref<2x128x128xf32, #tpu.memory_space<vmem>>, vector<16xf32>,
      %scan3A_186 = arith.constant 0 : i32
      scf.yield %scan3A_186 : i32
    }
    %scan3A_9 = arith.constant 1024 : i32
    %scan3A_10 = arith.constant 0 : i32
    %scan3A_11 = arith.constant 0 : i32
    %scan3A_12 = arith.constant 640 : i32
    %scan3A_13 = arith.addi %scan3A_11, %scan3A_12 : i32
    %scan3A_14 = arith.constant 1 : i32
    %scan3A_15 = scf.for %scan3A_144 = %scan3A_11 to %scan3A_13 step %scan3A_14 iter_args(%scan3A_145 = %scan3A_10) -> (i32)  : i32 {
      %broadcast_in_dim3A_146 = arith.constant 0.000000e+00 : f32
      %broadcast_in_dim3A_147 = vector.broadcast %broadcast_in_dim3A_146 : f32 to vector<16xf32>
      %jit3A = arith.constant 8 : i32
      %div3A = arith.divsi %scan3A_144, %jit3A : i32
      %sign3A = arith.constant 0 : i32
      %sign3A_148 = arith.cmpi sgt, %scan3A_144, %sign3A : i32
      %sign3A_149 = arith.extui %sign3A_148 : i1 to i32
      %sign3A_150 = arith.constant 0 : i32
      %sign3A_151 = arith.cmpi slt, %scan3A_144, %sign3A_150 : i32
      %sign3A_152 = arith.extui %sign3A_151 : i1 to i32
      %sign3A_153 = arith.subi %sign3A_149, %sign3A_152 : i32
      %sign3A_154 = arith.constant 0 : i32
      %sign3A_155 = arith.cmpi sgt, %jit3A, %sign3A_154 : i32
      %sign3A_156 = arith.extui %sign3A_155 : i1 to i32
      %sign3A_157 = arith.constant 0 : i32
      %sign3A_158 = arith.cmpi slt, %jit3A, %sign3A_157 : i32
      %sign3A_159 = arith.extui %sign3A_158 : i1 to i32
      %sign3A_160 = arith.subi %sign3A_156, %sign3A_159 : i32
      %ne3A = arith.cmpi ne, %sign3A_153, %sign3A_160 : i32
      %rem3A = arith.remsi %scan3A_144, %jit3A : i32
      %ne3A_161 = arith.constant 0 : i32
      %ne3A_162 = arith.cmpi ne, %rem3A, %ne3A_161 : i32
      %and3A = arith.andi %ne3A, %ne3A_162 : i1
      %sub3A = arith.constant 1 : i32
      %sub3A_163 = arith.subi %div3A, %sub3A : i32
      %select_n3A = arith.select %and3A, %sub3A_163, %div3A : i32
      %jit3A_164 = arith.constant 8 : i32
      %eq3A_165 = arith.constant 0 : i32
      %eq3A_166 = arith.cmpi eq, %jit3A_164, %eq3A_165 : i32
      %jit3A_167 = arith.constant 1 : i32
      %select_n3A_168 = arith.select %eq3A_166, %jit3A_167, %jit3A_164 : i32
      %rem3A_169 = arith.remsi %scan3A_144, %select_n3A_168 : i32
      %ne3A_170 = arith.constant 0 : i32
      %ne3A_171 = arith.cmpi ne, %rem3A_169, %ne3A_170 : i32
      %lt3A = arith.constant 0 : i32
      %lt3A_172 = arith.cmpi slt, %rem3A_169, %lt3A : i32
      %lt3A_173 = arith.constant 0 : i32
      %lt3A_174 = arith.cmpi slt, %select_n3A_168, %lt3A_173 : i32
      %ne3A_175 = arith.xori %lt3A_172, %lt3A_174 : i1
      %and3A_176 = arith.andi %ne3A_175, %ne3A_171 : i1
      %add3A_177 = arith.addi %rem3A_169, %select_n3A_168 : i32
      %select_n3A_178 = arith.select %and3A_176, %add3A_177, %rem3A_169 : i32
      %mul3A_179 = arith.constant 16 : i32
      %mul3A_180 = arith.muli %select_n3A_178, %mul3A_179 : i32
      %swap3A_181 = arith.index_cast %select_n3A : i32 to index
      %swap3A_182 = arith.index_cast %mul3A_180 : i32 to index
      %swap3A_183 = tpu.vector_load %arg12[%swap3A_181, %swap3A_182] {strides = array<i32>} : memref<80x128xf32, #tpu.memory_space<vmem>>, vector<16xf32>,
      tpu.vector_store %arg12[%swap3A_181, %swap3A_182], %broadcast_in_dim3A_147 {strides = array<i32>} : memref<80x128xf32, #tpu.memory_space<vmem>>, vector<16xf32>,
      %scan3A_184 = arith.constant 0 : i32
      scf.yield %scan3A_184 : i32
    }
    %scan3A_16 = arith.constant 640 : i32
    %iota3A = tpu.iota {dimensions = array<i32: 0>} : vector<16xi32>
    %add3A_17 = arith.constant 0 : i32
    %add3A_18 = vector.broadcast %add3A_17 : i32 to vector<16xi32>
    %add3A_19 = arith.addi %iota3A, %add3A_18 : vector<16xi32>
    %swap3A = arith.constant 0 : i32
    %swap3A_20 = arith.index_cast %swap3A : i32 to index
    %swap3A_21 = arith.constant 0 : index
    %swap3A_22 = tpu.vector_load %arg13[%swap3A_20, %swap3A_21] {strides = array<i32>} : memref<1x80xi32, #tpu.memory_space<vmem>>, vector<16xi32>,
    tpu.vector_store %arg13[%swap3A_20, %swap3A_21], %add3A_19 {strides = array<i32>} : memref<1x80xi32, #tpu.memory_space<vmem>>, vector<16xi32>,
    %iota3A_23 = tpu.iota {dimensions = array<i32: 0>} : vector<16xi32>
    %add3A_24 = arith.constant 16 : i32
    %add3A_25 = vector.broadcast %add3A_24 : i32 to vector<16xi32>
    %add3A_26 = arith.addi %iota3A_23, %add3A_25 : vector<16xi32>
    %swap3A_27 = arith.constant 0 : i32
    %swap3A_28 = arith.index_cast %swap3A_27 : i32 to index
    %swap3A_29 = arith.constant 16 : index
    %swap3A_30 = tpu.vector_load %arg13[%swap3A_28, %swap3A_29] {strides = array<i32>} : memref<1x80xi32, #tpu.memory_space<vmem>>, vector<16xi32>,
    tpu.vector_store %arg13[%swap3A_28, %swap3A_29], %add3A_26 {strides = array<i32>} : memref<1x80xi32, #tpu.memory_space<vmem>>, vector<16xi32>,
    %iota3A_31 = tpu.iota {dimensions = array<i32: 0>} : vector<16xi32>
    %add3A_32 = arith.constant 32 : i32
    %add3A_33 = vector.broadcast %add3A_32 : i32 to vector<16xi32>
    %add3A_34 = arith.addi %iota3A_31, %add3A_33 : vector<16xi32>
    %swap3A_35 = arith.constant 0 : i32
    %swap3A_36 = arith.index_cast %swap3A_35 : i32 to index
    %swap3A_37 = arith.constant 32 : index
    %swap3A_38 = tpu.vector_load %arg13[%swap3A_36, %swap3A_37] {strides = array<i32>} : memref<1x80xi32, #tpu.memory_space<vmem>>, vector<16xi32>,
    tpu.vector_store %arg13[%swap3A_36, %swap3A_37], %add3A_34 {strides = array<i32>} : memref<1x80xi32, #tpu.memory_space<vmem>>, vector<16xi32>,
    %iota3A_39 = tpu.iota {dimensions = array<i32: 0>} : vector<16xi32>
    %add3A_40 = arith.constant 48 : i32
    %add3A_41 = vector.broadcast %add3A_40 : i32 to vector<16xi32>
    %add3A_42 = arith.addi %iota3A_39, %add3A_41 : vector<16xi32>
    %swap3A_43 = arith.constant 0 : i32
    %swap3A_44 = arith.index_cast %swap3A_43 : i32 to index
    %swap3A_45 = arith.constant 48 : index
    %swap3A_46 = tpu.vector_load %arg13[%swap3A_44, %swap3A_45] {strides = array<i32>} : memref<1x80xi32, #tpu.memory_space<vmem>>, vector<16xi32>,
    tpu.vector_store %arg13[%swap3A_44, %swap3A_45], %add3A_42 {strides = array<i32>} : memref<1x80xi32, #tpu.memory_space<vmem>>, vector<16xi32>,
    %iota3A_47 = tpu.iota {dimensions = array<i32: 0>} : vector<16xi32>
    %add3A_48 = arith.constant 64 : i32
    %add3A_49 = vector.broadcast %add3A_48 : i32 to vector<16xi32>
    %add3A_50 = arith.addi %iota3A_47, %add3A_49 : vector<16xi32>
    %swap3A_51 = arith.constant 0 : i32
    %swap3A_52 = arith.index_cast %swap3A_51 : i32 to index
    %swap3A_53 = arith.constant 64 : index
    %swap3A_54 = tpu.vector_load %arg13[%swap3A_52, %swap3A_53] {strides = array<i32>} : memref<1x80xi32, #tpu.memory_space<vmem>>, vector<16xi32>,
    tpu.vector_store %arg13[%swap3A_52, %swap3A_53], %add3A_50 {strides = array<i32>} : memref<1x80xi32, #tpu.memory_space<vmem>>, vector<16xi32>,
    %scan3A_55 = arith.constant 0 : i32
    %scan3A_56 = arith.constant 0 : i32
    %scan3A_57 = arith.constant 5 : i32
    %scan3A_58 = arith.addi %scan3A_56, %scan3A_57 : i32
    %scan3A_59 = arith.constant 1 : i32
    %scan3A_60 = scf.for %scan3A_144 = %scan3A_56 to %scan3A_58 step %scan3A_59 iter_args(%scan3A_145 = %scan3A_55) -> (i32)  : i32 {
      %mul3A_146 = arith.constant 128 : i32
      %mul3A_147 = arith.muli %scan3A_144, %mul3A_146 : i32
      %add3A_148 = arith.addi %mul3A_2, %mul3A_147 : i32
      %run_scoped3A_149 = arith.constant 0 : i32
      "tpu.region"() ({
        %run_scoped3A_151 = tpu.sem_alloc : memref<!tpu.dma_semaphore, #tpu.memory_space<semaphore_mem>>
        %dma_start3A_152 = arith.constant 0 : i32
        %dma_start3A_153 = arith.constant 0 : i32
        %dma_start3A_154 = tpu.memref_slice %arg11[%run_scoped3A_149, %dma_start3A_152, %dma_start3A_153] : memref<2x128x128xf32, #tpu.memory_space<vmem>> -> memref<1x128x128xf32, #tpu.memory_space<vmem>>
        %dma_start3A_155 = tpu.memref_squeeze %dma_start3A_154 : memref<1x128x128xf32, #tpu.memory_space<vmem>> -> memref<128x128xf32, #tpu.memory_space<vmem>>
        %dma_start3A_156 = arith.constant 0 : i32
        %dma_start3A_157 = tpu.memref_slice %arg14[%add3A_148, %dma_start3A_156] : memref<10240x128xf32, #tpu.memory_space<vmem_shared>> -> memref<128x128xf32, #tpu.memory_space<vmem_shared>>
        %dma_start3A_158 = arith.constant 0 : i32
        %dma_start3A_159 = tpu.memref_slice %arg14[%add3A_148, %dma_start3A_158] : memref<10240x128xf32, #tpu.memory_space<vmem_shared>> -> memref<128x128xf32, #tpu.memory_space<vmem_shared>>
        %dma_start3A_160 = arith.constant 0 : i32
        %dma_start3A_161 = arith.constant 0 : i32
        %dma_start3A_162 = tpu.memref_slice %arg11[%run_scoped3A_149, %dma_start3A_160, %dma_start3A_161] : memref<2x128x128xf32, #tpu.memory_space<vmem>> -> memref<1x128x128xf32, #tpu.memory_space<vmem>>
        %dma_start3A_163 = tpu.memref_squeeze %dma_start3A_162 : memref<1x128x128xf32, #tpu.memory_space<vmem>> -> memref<128x128xf32, #tpu.memory_space<vmem>>
        tpu.enqueue_dma source(%dma_start3A_163 : memref<128x128xf32, #tpu.memory_space<vmem>>) target(%dma_start3A_159 : memref<128x128xf32, #tpu.memory_space<vmem_shared>>) target_semaphore(%run_scoped3A_151 : memref<!tpu.dma_semaphore, #tpu.memory_space<semaphore_mem>>)
        %dma_wait3A_164 = arith.constant 0 : i32
        %dma_wait3A_165 = arith.constant 0 : i32
        %dma_wait3A_166 = tpu.memref_slice %arg11[%run_scoped3A_149, %dma_wait3A_164, %dma_wait3A_165] : memref<2x128x128xf32, #tpu.memory_space<vmem>> -> memref<1x128x128xf32, #tpu.memory_space<vmem>>
        %dma_wait3A_167 = tpu.memref_squeeze %dma_wait3A_166 : memref<1x128x128xf32, #tpu.memory_space<vmem>> -> memref<128x128xf32, #tpu.memory_space<vmem>>
        %dma_wait3A_168 = arith.constant 0 : i32
        %dma_wait3A_169 = tpu.memref_slice %arg14[%add3A_148, %dma_wait3A_168] : memref<10240x128xf32, #tpu.memory_space<vmem_shared>> -> memref<128x128xf32, #tpu.memory_space<vmem_shared>>
        %dma_wait3A_170 = arith.constant 0 : i32
        %dma_wait3A_171 = tpu.memref_slice %arg14[%add3A_148, %dma_wait3A_170] : memref<10240x128xf32, #tpu.memory_space<vmem_shared>> -> memref<128x128xf32, #tpu.memory_space<vmem_shared>>
        %dma_wait3A_172 = arith.constant 0 : i32
        %dma_wait3A_173 = arith.constant 0 : i32
        %dma_wait3A_174 = tpu.memref_slice %arg11[%run_scoped3A_149, %dma_wait3A_172, %dma_wait3A_173] : memref<2x128x128xf32, #tpu.memory_space<vmem>> -> memref<1x128x128xf32, #tpu.memory_space<vmem>>
        %dma_wait3A_175 = tpu.memref_squeeze %dma_wait3A_174 : memref<1x128x128xf32, #tpu.memory_space<vmem>> -> memref<128x128xf32, #tpu.memory_space<vmem>>
        tpu.wait_dma2 semaphore(%run_scoped3A_151 : memref<!tpu.dma_semaphore, #tpu.memory_space<semaphore_mem>>) src(%dma_wait3A_175 : memref<128x128xf32, #tpu.memory_space<vmem>>) dst(%dma_wait3A_171 : memref<128x128xf32, #tpu.memory_space<vmem_shared>>)
        tpu.yield
      }) : () -> ()
      %scan3A_150 = arith.constant 0 : i32
      scf.yield %scan3A_150 : i32
    }
    %scan3A_61 = arith.constant 5 : i32
    %eq3A = arith.constant 0 : i32
    %eq3A_62 = arith.cmpi eq, %arg1, %eq3A : i32
    %convert_element_type3A = arith.extui %eq3A_62 : i1 to i32
    %cond3A = arith.constant 0 : i32
    %cond3A_63 = arith.cmpi ne, %convert_element_type3A, %cond3A : i32
    scf.if %cond3A_63 {
      "tpu.region"() ({
        %run_scoped3A_144 = tpu.sem_alloc : memref<!tpu.dma_semaphore, #tpu.memory_space<semaphore_mem>>
        tpu.enqueue_dma source(%arg12 : memref<80x128xf32, #tpu.memory_space<vmem>>) target(%arg15 : memref<80x128xf32, #tpu.memory_space<vmem_shared>>) target_semaphore(%run_scoped3A_144 : memref<!tpu.dma_semaphore, #tpu.memory_space<semaphore_mem>>)
        tpu.wait_dma2 semaphore(%run_scoped3A_144 : memref<!tpu.dma_semaphore, #tpu.memory_space<semaphore_mem>>) src(%arg12 : memref<80x128xf32, #tpu.memory_space<vmem>>) dst(%arg15 : memref<80x128xf32, #tpu.memory_space<vmem_shared>>)
        tpu.yield
      }) : () -> ()
    } else {
    }
    %barrier3A = arith.constant 0 : index
    tpu.barrier barrier_id(%barrier3A)
    %run_scoped3A = arith.constant 0 : i32
    "tpu.region"() ({
      %run_scoped3A_144 = tpu.sem_alloc : memref<!tpu.dma_semaphore, #tpu.memory_space<semaphore_mem>>
      %dma_start3A_145 = arith.constant 0 : i32
      %dma_start3A_146 = tpu.memref_slice %arg7[%run_scoped3A, %dma_start3A_145] : memref<2x128xi32, #tpu.memory_space<vmem>> -> memref<1x128xi32, #tpu.memory_space<vmem>>
      %dma_start3A_147 = tpu.memref_squeeze %dma_start3A_146 : memref<1x128xi32, #tpu.memory_space<vmem>> -> memref<128xi32, #tpu.memory_space<vmem>>
      %dma_start3A_148 = arith.constant 0 : i32
      %dma_start3A_149 = tpu.memref_slice %arg3[%add3A, %dma_start3A_148] : memref<2560x128xi32, #tpu.memory_space<hbm>> -> memref<1x128xi32, #tpu.memory_space<hbm>>
      %dma_start3A_150 = tpu.memref_squeeze %dma_start3A_149 : memref<1x128xi32, #tpu.memory_space<hbm>> -> memref<128xi32, #tpu.memory_space<hbm>>
      %dma_start3A_151 = arith.constant 0 : i32
      %dma_start3A_152 = tpu.memref_slice %arg7[%run_scoped3A, %dma_start3A_151] : memref<2x128xi32, #tpu.memory_space<vmem>> -> memref<1x128xi32, #tpu.memory_space<vmem>>
      %dma_start3A_153 = tpu.memref_squeeze %dma_start3A_152 : memref<1x128xi32, #tpu.memory_space<vmem>> -> memref<128xi32, #tpu.memory_space<vmem>>
      %dma_start3A_154 = arith.constant 0 : i32
      %dma_start3A_155 = tpu.memref_slice %arg3[%add3A, %dma_start3A_154] : memref<2560x128xi32, #tpu.memory_space<hbm>> -> memref<1x128xi32, #tpu.memory_space<hbm>>
      %dma_start3A_156 = tpu.memref_squeeze %dma_start3A_155 : memref<1x128xi32, #tpu.memory_space<hbm>> -> memref<128xi32, #tpu.memory_space<hbm>>
      tpu.enqueue_dma source(%dma_start3A_156 : memref<128xi32, #tpu.memory_space<hbm>>) target(%dma_start3A_153 : memref<128xi32, #tpu.memory_space<vmem>>) target_semaphore(%run_scoped3A_144 : memref<!tpu.dma_semaphore, #tpu.memory_space<semaphore_mem>>)
      %dma_wait3A_157 = arith.constant 0 : i32
      %dma_wait3A_158 = tpu.memref_slice %arg7[%run_scoped3A, %dma_wait3A_157] : memref<2x128xi32, #tpu.memory_space<vmem>> -> memref<1x128xi32, #tpu.memory_space<vmem>>
      %dma_wait3A_159 = tpu.memref_squeeze %dma_wait3A_158 : memref<1x128xi32, #tpu.memory_space<vmem>> -> memref<128xi32, #tpu.memory_space<vmem>>
      %dma_wait3A_160 = arith.constant 0 : i32
      %dma_wait3A_161 = tpu.memref_slice %arg3[%add3A, %dma_wait3A_160] : memref<2560x128xi32, #tpu.memory_space<hbm>> -> memref<1x128xi32, #tpu.memory_space<hbm>>
      %dma_wait3A_162 = tpu.memref_squeeze %dma_wait3A_161 : memref<1x128xi32, #tpu.memory_space<hbm>> -> memref<128xi32, #tpu.memory_space<hbm>>
      %dma_wait3A_163 = arith.constant 0 : i32
      %dma_wait3A_164 = tpu.memref_slice %arg7[%run_scoped3A, %dma_wait3A_163] : memref<2x128xi32, #tpu.memory_space<vmem>> -> memref<1x128xi32, #tpu.memory_space<vmem>>
      %dma_wait3A_165 = tpu.memref_squeeze %dma_wait3A_164 : memref<1x128xi32, #tpu.memory_space<vmem>> -> memref<128xi32, #tpu.memory_space<vmem>>
      %dma_wait3A_166 = arith.constant 0 : i32
      %dma_wait3A_167 = tpu.memref_slice %arg3[%add3A, %dma_wait3A_166] : memref<2560x128xi32, #tpu.memory_space<hbm>> -> memref<1x128xi32, #tpu.memory_space<hbm>>
      %dma_wait3A_168 = tpu.memref_squeeze %dma_wait3A_167 : memref<1x128xi32, #tpu.memory_space<hbm>> -> memref<128xi32, #tpu.memory_space<hbm>>
      tpu.wait_dma2 semaphore(%run_scoped3A_144 : memref<!tpu.dma_semaphore, #tpu.memory_space<semaphore_mem>>) src(%dma_wait3A_168 : memref<128xi32, #tpu.memory_space<hbm>>) dst(%dma_wait3A_165 : memref<128xi32, #tpu.memory_space<vmem>>)
      tpu.yield
    }) : () -> ()
    %run_scoped3A_64 = arith.constant 0 : i32
    "tpu.region"() ({
      %run_scoped3A_144 = tpu.sem_alloc : memref<!tpu.dma_semaphore, #tpu.memory_space<semaphore_mem>>
      %dma_start3A_145 = arith.constant 0 : i32
      %dma_start3A_146 = tpu.memref_slice %arg8[%run_scoped3A_64, %dma_start3A_145] : memref<2x128xi32, #tpu.memory_space<vmem>> -> memref<1x128xi32, #tpu.memory_space<vmem>>
      %dma_start3A_147 = tpu.memref_squeeze %dma_start3A_146 : memref<1x128xi32, #tpu.memory_space<vmem>> -> memref<128xi32, #tpu.memory_space<vmem>>
      %dma_start3A_148 = arith.constant 0 : i32
      %dma_start3A_149 = tpu.memref_slice %arg4[%add3A, %dma_start3A_148] : memref<2560x128xi32, #tpu.memory_space<hbm>> -> memref<1x128xi32, #tpu.memory_space<hbm>>
      %dma_start3A_150 = tpu.memref_squeeze %dma_start3A_149 : memref<1x128xi32, #tpu.memory_space<hbm>> -> memref<128xi32, #tpu.memory_space<hbm>>
      %dma_start3A_151 = arith.constant 0 : i32
      %dma_start3A_152 = tpu.memref_slice %arg8[%run_scoped3A_64, %dma_start3A_151] : memref<2x128xi32, #tpu.memory_space<vmem>> -> memref<1x128xi32, #tpu.memory_space<vmem>>
      %dma_start3A_153 = tpu.memref_squeeze %dma_start3A_152 : memref<1x128xi32, #tpu.memory_space<vmem>> -> memref<128xi32, #tpu.memory_space<vmem>>
      %dma_start3A_154 = arith.constant 0 : i32
      %dma_start3A_155 = tpu.memref_slice %arg4[%add3A, %dma_start3A_154] : memref<2560x128xi32, #tpu.memory_space<hbm>> -> memref<1x128xi32, #tpu.memory_space<hbm>>
      %dma_start3A_156 = tpu.memref_squeeze %dma_start3A_155 : memref<1x128xi32, #tpu.memory_space<hbm>> -> memref<128xi32, #tpu.memory_space<hbm>>
      tpu.enqueue_dma source(%dma_start3A_156 : memref<128xi32, #tpu.memory_space<hbm>>) target(%dma_start3A_153 : memref<128xi32, #tpu.memory_space<vmem>>) target_semaphore(%run_scoped3A_144 : memref<!tpu.dma_semaphore, #tpu.memory_space<semaphore_mem>>)
      %dma_wait3A_157 = arith.constant 0 : i32
      %dma_wait3A_158 = tpu.memref_slice %arg8[%run_scoped3A_64, %dma_wait3A_157] : memref<2x128xi32, #tpu.memory_space<vmem>> -> memref<1x128xi32, #tpu.memory_space<vmem>>
      %dma_wait3A_159 = tpu.memref_squeeze %dma_wait3A_158 : memref<1x128xi32, #tpu.memory_space<vmem>> -> memref<128xi32, #tpu.memory_space<vmem>>
      %dma_wait3A_160 = arith.constant 0 : i32
      %dma_wait3A_161 = tpu.memref_slice %arg4[%add3A, %dma_wait3A_160] : memref<2560x128xi32, #tpu.memory_space<hbm>> -> memref<1x128xi32, #tpu.memory_space<hbm>>
      %dma_wait3A_162 = tpu.memref_squeeze %dma_wait3A_161 : memref<1x128xi32, #tpu.memory_space<hbm>> -> memref<128xi32, #tpu.memory_space<hbm>>
      %dma_wait3A_163 = arith.constant 0 : i32
      %dma_wait3A_164 = tpu.memref_slice %arg8[%run_scoped3A_64, %dma_wait3A_163] : memref<2x128xi32, #tpu.memory_space<vmem>> -> memref<1x128xi32, #tpu.memory_space<vmem>>
      %dma_wait3A_165 = tpu.memref_squeeze %dma_wait3A_164 : memref<1x128xi32, #tpu.memory_space<vmem>> -> memref<128xi32, #tpu.memory_space<vmem>>
      %dma_wait3A_166 = arith.constant 0 : i32
      %dma_wait3A_167 = tpu.memref_slice %arg4[%add3A, %dma_wait3A_166] : memref<2560x128xi32, #tpu.memory_space<hbm>> -> memref<1x128xi32, #tpu.memory_space<hbm>>
      %dma_wait3A_168 = tpu.memref_squeeze %dma_wait3A_167 : memref<1x128xi32, #tpu.memory_space<hbm>> -> memref<128xi32, #tpu.memory_space<hbm>>
      tpu.wait_dma2 semaphore(%run_scoped3A_144 : memref<!tpu.dma_semaphore, #tpu.memory_space<semaphore_mem>>) src(%dma_wait3A_168 : memref<128xi32, #tpu.memory_space<hbm>>) dst(%dma_wait3A_165 : memref<128xi32, #tpu.memory_space<vmem>>)
      tpu.yield
    }) : () -> ()
    %add3A_65 = arith.constant 32 : i32
    %add3A_66 = arith.addi %add3A, %add3A_65 : i32
    %run_scoped3A_67 = arith.constant 1 : i32
    "tpu.region"() ({
      %run_scoped3A_144 = tpu.sem_alloc : memref<!tpu.dma_semaphore, #tpu.memory_space<semaphore_mem>>
      %dma_start3A_145 = arith.constant 0 : i32
      %dma_start3A_146 = tpu.memref_slice %arg7[%run_scoped3A_67, %dma_start3A_145] : memref<2x128xi32, #tpu.memory_space<vmem>> -> memref<1x128xi32, #tpu.memory_space<vmem>>
      %dma_start3A_147 = tpu.memref_squeeze %dma_start3A_146 : memref<1x128xi32, #tpu.memory_space<vmem>> -> memref<128xi32, #tpu.memory_space<vmem>>
      %dma_start3A_148 = arith.constant 0 : i32
      %dma_start3A_149 = tpu.memref_slice %arg3[%add3A_66, %dma_start3A_148] : memref<2560x128xi32, #tpu.memory_space<hbm>> -> memref<1x128xi32, #tpu.memory_space<hbm>>
      %dma_start3A_150 = tpu.memref_squeeze %dma_start3A_149 : memref<1x128xi32, #tpu.memory_space<hbm>> -> memref<128xi32, #tpu.memory_space<hbm>>
      %dma_start3A_151 = arith.constant 0 : i32
      %dma_start3A_152 = tpu.memref_slice %arg7[%run_scoped3A_67, %dma_start3A_151] : memref<2x128xi32, #tpu.memory_space<vmem>> -> memref<1x128xi32, #tpu.memory_space<vmem>>
      %dma_start3A_153 = tpu.memref_squeeze %dma_start3A_152 : memref<1x128xi32, #tpu.memory_space<vmem>> -> memref<128xi32, #tpu.memory_space<vmem>>
      %dma_start3A_154 = arith.constant 0 : i32
      %dma_start3A_155 = tpu.memref_slice %arg3[%add3A_66, %dma_start3A_154] : memref<2560x128xi32, #tpu.memory_space<hbm>> -> memref<1x128xi32, #tpu.memory_space<hbm>>
      %dma_start3A_156 = tpu.memref_squeeze %dma_start3A_155 : memref<1x128xi32, #tpu.memory_space<hbm>> -> memref<128xi32, #tpu.memory_space<hbm>>
      tpu.enqueue_dma source(%dma_start3A_156 : memref<128xi32, #tpu.memory_space<hbm>>) target(%dma_start3A_153 : memref<128xi32, #tpu.memory_space<vmem>>) target_semaphore(%run_scoped3A_144 : memref<!tpu.dma_semaphore, #tpu.memory_space<semaphore_mem>>)
      %dma_wait3A_157 = arith.constant 0 : i32
      %dma_wait3A_158 = tpu.memref_slice %arg7[%run_scoped3A_67, %dma_wait3A_157] : memref<2x128xi32, #tpu.memory_space<vmem>> -> memref<1x128xi32, #tpu.memory_space<vmem>>
      %dma_wait3A_159 = tpu.memref_squeeze %dma_wait3A_158 : memref<1x128xi32, #tpu.memory_space<vmem>> -> memref<128xi32, #tpu.memory_space<vmem>>
      %dma_wait3A_160 = arith.constant 0 : i32
      %dma_wait3A_161 = tpu.memref_slice %arg3[%add3A_66, %dma_wait3A_160] : memref<2560x128xi32, #tpu.memory_space<hbm>> -> memref<1x128xi32, #tpu.memory_space<hbm>>
      %dma_wait3A_162 = tpu.memref_squeeze %dma_wait3A_161 : memref<1x128xi32, #tpu.memory_space<hbm>> -> memref<128xi32, #tpu.memory_space<hbm>>
      %dma_wait3A_163 = arith.constant 0 : i32
      %dma_wait3A_164 = tpu.memref_slice %arg7[%run_scoped3A_67, %dma_wait3A_163] : memref<2x128xi32, #tpu.memory_space<vmem>> -> memref<1x128xi32, #tpu.memory_space<vmem>>
      %dma_wait3A_165 = tpu.memref_squeeze %dma_wait3A_164 : memref<1x128xi32, #tpu.memory_space<vmem>> -> memref<128xi32, #tpu.memory_space<vmem>>
      %dma_wait3A_166 = arith.constant 0 : i32
      %dma_wait3A_167 = tpu.memref_slice %arg3[%add3A_66, %dma_wait3A_166] : memref<2560x128xi32, #tpu.memory_space<hbm>> -> memref<1x128xi32, #tpu.memory_space<hbm>>
      %dma_wait3A_168 = tpu.memref_squeeze %dma_wait3A_167 : memref<1x128xi32, #tpu.memory_space<hbm>> -> memref<128xi32, #tpu.memory_space<hbm>>
      tpu.wait_dma2 semaphore(%run_scoped3A_144 : memref<!tpu.dma_semaphore, #tpu.memory_space<semaphore_mem>>) src(%dma_wait3A_168 : memref<128xi32, #tpu.memory_space<hbm>>) dst(%dma_wait3A_165 : memref<128xi32, #tpu.memory_space<vmem>>)
      tpu.yield
    }) : () -> ()
    %add3A_68 = arith.constant 32 : i32
    %add3A_69 = arith.addi %add3A, %add3A_68 : i32
    %run_scoped3A_70 = arith.constant 1 : i32
    "tpu.region"() ({
      %run_scoped3A_144 = tpu.sem_alloc : memref<!tpu.dma_semaphore, #tpu.memory_space<semaphore_mem>>
      %dma_start3A_145 = arith.constant 0 : i32
      %dma_start3A_146 = tpu.memref_slice %arg8[%run_scoped3A_70, %dma_start3A_145] : memref<2x128xi32, #tpu.memory_space<vmem>> -> memref<1x128xi32, #tpu.memory_space<vmem>>
      %dma_start3A_147 = tpu.memref_squeeze %dma_start3A_146 : memref<1x128xi32, #tpu.memory_space<vmem>> -> memref<128xi32, #tpu.memory_space<vmem>>
      %dma_start3A_148 = arith.constant 0 : i32
      %dma_start3A_149 = tpu.memref_slice %arg4[%add3A_69, %dma_start3A_148] : memref<2560x128xi32, #tpu.memory_space<hbm>> -> memref<1x128xi32, #tpu.memory_space<hbm>>
      %dma_start3A_150 = tpu.memref_squeeze %dma_start3A_149 : memref<1x128xi32, #tpu.memory_space<hbm>> -> memref<128xi32, #tpu.memory_space<hbm>>
      %dma_start3A_151 = arith.constant 0 : i32
      %dma_start3A_152 = tpu.memref_slice %arg8[%run_scoped3A_70, %dma_start3A_151] : memref<2x128xi32, #tpu.memory_space<vmem>> -> memref<1x128xi32, #tpu.memory_space<vmem>>
      %dma_start3A_153 = tpu.memref_squeeze %dma_start3A_152 : memref<1x128xi32, #tpu.memory_space<vmem>> -> memref<128xi32, #tpu.memory_space<vmem>>
      %dma_start3A_154 = arith.constant 0 : i32
      %dma_start3A_155 = tpu.memref_slice %arg4[%add3A_69, %dma_start3A_154] : memref<2560x128xi32, #tpu.memory_space<hbm>> -> memref<1x128xi32, #tpu.memory_space<hbm>>
      %dma_start3A_156 = tpu.memref_squeeze %dma_start3A_155 : memref<1x128xi32, #tpu.memory_space<hbm>> -> memref<128xi32, #tpu.memory_space<hbm>>
      tpu.enqueue_dma source(%dma_start3A_156 : memref<128xi32, #tpu.memory_space<hbm>>) target(%dma_start3A_153 : memref<128xi32, #tpu.memory_space<vmem>>) target_semaphore(%run_scoped3A_144 : memref<!tpu.dma_semaphore, #tpu.memory_space<semaphore_mem>>)
      %dma_wait3A_157 = arith.constant 0 : i32
      %dma_wait3A_158 = tpu.memref_slice %arg8[%run_scoped3A_70, %dma_wait3A_157] : memref<2x128xi32, #tpu.memory_space<vmem>> -> memref<1x128xi32, #tpu.memory_space<vmem>>
      %dma_wait3A_159 = tpu.memref_squeeze %dma_wait3A_158 : memref<1x128xi32, #tpu.memory_space<vmem>> -> memref<128xi32, #tpu.memory_space<vmem>>
      %dma_wait3A_160 = arith.constant 0 : i32
      %dma_wait3A_161 = tpu.memref_slice %arg4[%add3A_69, %dma_wait3A_160] : memref<2560x128xi32, #tpu.memory_space<hbm>> -> memref<1x128xi32, #tpu.memory_space<hbm>>
      %dma_wait3A_162 = tpu.memref_squeeze %dma_wait3A_161 : memref<1x128xi32, #tpu.memory_space<hbm>> -> memref<128xi32, #tpu.memory_space<hbm>>
      %dma_wait3A_163 = arith.constant 0 : i32
      %dma_wait3A_164 = tpu.memref_slice %arg8[%run_scoped3A_70, %dma_wait3A_163] : memref<2x128xi32, #tpu.memory_space<vmem>> -> memref<1x128xi32, #tpu.memory_space<vmem>>
      %dma_wait3A_165 = tpu.memref_squeeze %dma_wait3A_164 : memref<1x128xi32, #tpu.memory_space<vmem>> -> memref<128xi32, #tpu.memory_space<vmem>>
      %dma_wait3A_166 = arith.constant 0 : i32
      %dma_wait3A_167 = tpu.memref_slice %arg4[%add3A_69, %dma_wait3A_166] : memref<2560x128xi32, #tpu.memory_space<hbm>> -> memref<1x128xi32, #tpu.memory_space<hbm>>
      %dma_wait3A_168 = tpu.memref_squeeze %dma_wait3A_167 : memref<1x128xi32, #tpu.memory_space<hbm>> -> memref<128xi32, #tpu.memory_space<hbm>>
      tpu.wait_dma2 semaphore(%run_scoped3A_144 : memref<!tpu.dma_semaphore, #tpu.memory_space<semaphore_mem>>) src(%dma_wait3A_168 : memref<128xi32, #tpu.memory_space<hbm>>) dst(%dma_wait3A_165 : memref<128xi32, #tpu.memory_space<vmem>>)
      tpu.yield
    }) : () -> ()
    %dma_start3A = arith.constant 0 : i32
    %dma_start3A_71 = arith.constant 0 : i32
    %dma_start3A_72 = arith.constant 0 : i32
    %dma_start3A_73 = arith.constant 0 : i32
    %dma_start3A_74 = tpu.memref_slice %arg11[%dma_start3A_71, %dma_start3A_72, %dma_start3A_73] : memref<2x128x128xf32, #tpu.memory_space<vmem>> -> memref<1x128x128xf32, #tpu.memory_space<vmem>>
    %dma_start3A_75 = tpu.memref_squeeze %dma_start3A_74 : memref<1x128x128xf32, #tpu.memory_space<vmem>> -> memref<128x128xf32, #tpu.memory_space<vmem>>
    %dma_start3A_76 = arith.constant 0 : i32
    %dma_start3A_77 = tpu.memref_slice %arg7[%dma_start3A, %dma_start3A_76] : memref<2x128xi32, #tpu.memory_space<vmem>> -> memref<1x128xi32, #tpu.memory_space<vmem>>
    %dma_start3A_78 = tpu.memref_squeeze %dma_start3A_77 : memref<1x128xi32, #tpu.memory_space<vmem>> -> memref<128xi32, #tpu.memory_space<vmem>>
    %dma_start3A_79 = arith.constant 0 : i32
    %dma_start3A_80 = arith.constant 0 : i32
    %dma_start3A_81 = tpu.memref_slice %arg2[%dma_start3A_79, %dma_start3A_80] : memref<10000x128xf32, #tpu.memory_space<hbm>> -> memref<10000x128xf32, #tpu.memory_space<hbm>>
    tpu.enqueue_indirect_dma source(%dma_start3A_81 : memref<10000x128xf32, #tpu.memory_space<hbm>>) target(%dma_start3A_75 : memref<128x128xf32, #tpu.memory_space<vmem>>) offsets(%dma_start3A_78 : memref<128xi32, #tpu.memory_space<vmem>>) semaphore(%arg16 : memref<!tpu.dma_semaphore, #tpu.memory_space<semaphore_mem>>)
    %dma_start3A_82 = arith.constant 1 : i32
    %dma_start3A_83 = arith.constant 1 : i32
    %dma_start3A_84 = arith.constant 0 : i32
    %dma_start3A_85 = arith.constant 0 : i32
    %dma_start3A_86 = tpu.memref_slice %arg11[%dma_start3A_83, %dma_start3A_84, %dma_start3A_85] : memref<2x128x128xf32, #tpu.memory_space<vmem>> -> memref<1x128x128xf32, #tpu.memory_space<vmem>>
    %dma_start3A_87 = tpu.memref_squeeze %dma_start3A_86 : memref<1x128x128xf32, #tpu.memory_space<vmem>> -> memref<128x128xf32, #tpu.memory_space<vmem>>
    %dma_start3A_88 = arith.constant 0 : i32
    %dma_start3A_89 = tpu.memref_slice %arg7[%dma_start3A_82, %dma_start3A_88] : memref<2x128xi32, #tpu.memory_space<vmem>> -> memref<1x128xi32, #tpu.memory_space<vmem>>
    %dma_start3A_90 = tpu.memref_squeeze %dma_start3A_89 : memref<1x128xi32, #tpu.memory_space<vmem>> -> memref<128xi32, #tpu.memory_space<vmem>>
    %dma_start3A_91 = arith.constant 0 : i32
    %dma_start3A_92 = arith.constant 0 : i32
    %dma_start3A_93 = tpu.memref_slice %arg2[%dma_start3A_91, %dma_start3A_92] : memref<10000x128xf32, #tpu.memory_space<hbm>> -> memref<10000x128xf32, #tpu.memory_space<hbm>>
    tpu.enqueue_indirect_dma source(%dma_start3A_93 : memref<10000x128xf32, #tpu.memory_space<hbm>>) target(%dma_start3A_87 : memref<128x128xf32, #tpu.memory_space<vmem>>) offsets(%dma_start3A_90 : memref<128xi32, #tpu.memory_space<vmem>>) semaphore(%arg17 : memref<!tpu.dma_semaphore, #tpu.memory_space<semaphore_mem>>)
    %scan3A_94 = arith.constant 0 : i32
    %scan3A_95 = arith.constant 0 : i32
    %scan3A_96 = arith.constant 40 : i32
    %scan3A_97 = arith.addi %scan3A_95, %scan3A_96 : i32
    %scan3A_98 = arith.constant 1 : i32
    %scan3A_99 = scf.for %scan3A_144 = %scan3A_95 to %scan3A_97 step %scan3A_98 iter_args(%scan3A_145 = %scan3A_94) -> (i32)  : i32 {
      %lt3A = arith.constant 39 : i32
      %lt3A_146 = arith.cmpi slt, %scan3A_144, %lt3A : i32
      %convert_element_type3A_147 = arith.extui %lt3A_146 : i1 to i32
      %cond3A_148 = arith.constant 0 : i32
      %cond3A_149 = arith.cmpi ne, %convert_element_type3A_147, %cond3A_148 : i32
      scf.if %cond3A_149 {
        %mul3A_365 = arith.constant 2 : i32
        %mul3A_366 = arith.muli %mul3A_365, %scan3A_144 : i32
        %add3A_367 = arith.constant 2 : i32
        %add3A_368 = arith.addi %mul3A_366, %add3A_367 : i32
        %mul3A_369 = arith.constant 32 : i32
        %mul3A_370 = arith.muli %add3A_368, %mul3A_369 : i32
        %add3A_371 = arith.addi %add3A, %mul3A_370 : i32
        %dma_start3A_372 = arith.constant 0 : i32
        %dma_start3A_373 = arith.constant 0 : i32
        %dma_start3A_374 = tpu.memref_slice %arg9[%dma_start3A_372, %dma_start3A_373] : memref<2x128xi32, #tpu.memory_space<vmem>> -> memref<1x128xi32, #tpu.memory_space<vmem>>
        %dma_start3A_375 = tpu.memref_squeeze %dma_start3A_374 : memref<1x128xi32, #tpu.memory_space<vmem>> -> memref<128xi32, #tpu.memory_space<vmem>>
        %dma_start3A_376 = arith.constant 0 : i32
        %dma_start3A_377 = tpu.memref_slice %arg3[%add3A_371, %dma_start3A_376] : memref<2560x128xi32, #tpu.memory_space<hbm>> -> memref<1x128xi32, #tpu.memory_space<hbm>>
        %dma_start3A_378 = tpu.memref_squeeze %dma_start3A_377 : memref<1x128xi32, #tpu.memory_space<hbm>> -> memref<128xi32, #tpu.memory_space<hbm>>
        %dma_start3A_379 = arith.constant 0 : i32
        %dma_start3A_380 = tpu.memref_slice %arg9[%dma_start3A_372, %dma_start3A_379] : memref<2x128xi32, #tpu.memory_space<vmem>> -> memref<1x128xi32, #tpu.memory_space<vmem>>
        %dma_start3A_381 = tpu.memref_squeeze %dma_start3A_380 : memref<1x128xi32, #tpu.memory_space<vmem>> -> memref<128xi32, #tpu.memory_space<vmem>>
        %dma_start3A_382 = arith.constant 0 : i32
        %dma_start3A_383 = tpu.memref_slice %arg3[%add3A_371, %dma_start3A_382] : memref<2560x128xi32, #tpu.memory_space<hbm>> -> memref<1x128xi32, #tpu.memory_space<hbm>>
        %dma_start3A_384 = tpu.memref_squeeze %dma_start3A_383 : memref<1x128xi32, #tpu.memory_space<hbm>> -> memref<128xi32, #tpu.memory_space<hbm>>
        tpu.enqueue_dma source(%dma_start3A_384 : memref<128xi32, #tpu.memory_space<hbm>>) target(%dma_start3A_381 : memref<128xi32, #tpu.memory_space<vmem>>) target_semaphore(%arg20 : memref<!tpu.dma_semaphore, #tpu.memory_space<semaphore_mem>>)
        %dma_start3A_385 = arith.constant 0 : i32
        %dma_start3A_386 = arith.constant 0 : i32
        %dma_start3A_387 = tpu.memref_slice %arg10[%dma_start3A_385, %dma_start3A_386] : memref<2x128xi32, #tpu.memory_space<vmem>> -> memref<1x128xi32, #tpu.memory_space<vmem>>
        %dma_start3A_388 = tpu.memref_squeeze %dma_start3A_387 : memref<1x128xi32, #tpu.memory_space<vmem>> -> memref<128xi32, #tpu.memory_space<vmem>>
        %dma_start3A_389 = arith.constant 0 : i32
        %dma_start3A_390 = tpu.memref_slice %arg4[%add3A_371, %dma_start3A_389] : memref<2560x128xi32, #tpu.memory_space<hbm>> -> memref<1x128xi32, #tpu.memory_space<hbm>>
        %dma_start3A_391 = tpu.memref_squeeze %dma_start3A_390 : memref<1x128xi32, #tpu.memory_space<hbm>> -> memref<128xi32, #tpu.memory_space<hbm>>
        %dma_start3A_392 = arith.constant 0 : i32
        %dma_start3A_393 = tpu.memref_slice %arg10[%dma_start3A_385, %dma_start3A_392] : memref<2x128xi32, #tpu.memory_space<vmem>> -> memref<1x128xi32, #tpu.memory_space<vmem>>
        %dma_start3A_394 = tpu.memref_squeeze %dma_start3A_393 : memref<1x128xi32, #tpu.memory_space<vmem>> -> memref<128xi32, #tpu.memory_space<vmem>>
        %dma_start3A_395 = arith.constant 0 : i32
        %dma_start3A_396 = tpu.memref_slice %arg4[%add3A_371, %dma_start3A_395] : memref<2560x128xi32, #tpu.memory_space<hbm>> -> memref<1x128xi32, #tpu.memory_space<hbm>>
        %dma_start3A_397 = tpu.memref_squeeze %dma_start3A_396 : memref<1x128xi32, #tpu.memory_space<hbm>> -> memref<128xi32, #tpu.memory_space<hbm>>
        tpu.enqueue_dma source(%dma_start3A_397 : memref<128xi32, #tpu.memory_space<hbm>>) target(%dma_start3A_394 : memref<128xi32, #tpu.memory_space<vmem>>) target_semaphore(%arg20 : memref<!tpu.dma_semaphore, #tpu.memory_space<semaphore_mem>>)
        %add3A_398 = arith.constant 32 : i32
        %add3A_399 = arith.addi %add3A_371, %add3A_398 : i32
        %dma_start3A_400 = arith.constant 1 : i32
        %dma_start3A_401 = arith.constant 0 : i32
        %dma_start3A_402 = tpu.memref_slice %arg9[%dma_start3A_400, %dma_start3A_401] : memref<2x128xi32, #tpu.memory_space<vmem>> -> memref<1x128xi32, #tpu.memory_space<vmem>>
        %dma_start3A_403 = tpu.memref_squeeze %dma_start3A_402 : memref<1x128xi32, #tpu.memory_space<vmem>> -> memref<128xi32, #tpu.memory_space<vmem>>
        %dma_start3A_404 = arith.constant 0 : i32
        %dma_start3A_405 = tpu.memref_slice %arg3[%add3A_399, %dma_start3A_404] : memref<2560x128xi32, #tpu.memory_space<hbm>> -> memref<1x128xi32, #tpu.memory_space<hbm>>
        %dma_start3A_406 = tpu.memref_squeeze %dma_start3A_405 : memref<1x128xi32, #tpu.memory_space<hbm>> -> memref<128xi32, #tpu.memory_space<hbm>>
        %dma_start3A_407 = arith.constant 0 : i32
        %dma_start3A_408 = tpu.memref_slice %arg9[%dma_start3A_400, %dma_start3A_407] : memref<2x128xi32, #tpu.memory_space<vmem>> -> memref<1x128xi32, #tpu.memory_space<vmem>>
        %dma_start3A_409 = tpu.memref_squeeze %dma_start3A_408 : memref<1x128xi32, #tpu.memory_space<vmem>> -> memref<128xi32, #tpu.memory_space<vmem>>
        %dma_start3A_410 = arith.constant 0 : i32
        %dma_start3A_411 = tpu.memref_slice %arg3[%add3A_399, %dma_start3A_410] : memref<2560x128xi32, #tpu.memory_space<hbm>> -> memref<1x128xi32, #tpu.memory_space<hbm>>
        %dma_start3A_412 = tpu.memref_squeeze %dma_start3A_411 : memref<1x128xi32, #tpu.memory_space<hbm>> -> memref<128xi32, #tpu.memory_space<hbm>>
        tpu.enqueue_dma source(%dma_start3A_412 : memref<128xi32, #tpu.memory_space<hbm>>) target(%dma_start3A_409 : memref<128xi32, #tpu.memory_space<vmem>>) target_semaphore(%arg20 : memref<!tpu.dma_semaphore, #tpu.memory_space<semaphore_mem>>)
        %add3A_413 = arith.constant 32 : i32
        %add3A_414 = arith.addi %add3A_371, %add3A_413 : i32
        %dma_start3A_415 = arith.constant 1 : i32
        %dma_start3A_416 = arith.constant 0 : i32
        %dma_start3A_417 = tpu.memref_slice %arg10[%dma_start3A_415, %dma_start3A_416] : memref<2x128xi32, #tpu.memory_space<vmem>> -> memref<1x128xi32, #tpu.memory_space<vmem>>
        %dma_start3A_418 = tpu.memref_squeeze %dma_start3A_417 : memref<1x128xi32, #tpu.memory_space<vmem>> -> memref<128xi32, #tpu.memory_space<vmem>>
        %dma_start3A_419 = arith.constant 0 : i32
        %dma_start3A_420 = tpu.memref_slice %arg4[%add3A_414, %dma_start3A_419] : memref<2560x128xi32, #tpu.memory_space<hbm>> -> memref<1x128xi32, #tpu.memory_space<hbm>>
        %dma_start3A_421 = tpu.memref_squeeze %dma_start3A_420 : memref<1x128xi32, #tpu.memory_space<hbm>> -> memref<128xi32, #tpu.memory_space<hbm>>
        %dma_start3A_422 = arith.constant 0 : i32
        %dma_start3A_423 = tpu.memref_slice %arg10[%dma_start3A_415, %dma_start3A_422] : memref<2x128xi32, #tpu.memory_space<vmem>> -> memref<1x128xi32, #tpu.memory_space<vmem>>
        %dma_start3A_424 = tpu.memref_squeeze %dma_start3A_423 : memref<1x128xi32, #tpu.memory_space<vmem>> -> memref<128xi32, #tpu.memory_space<vmem>>
        %dma_start3A_425 = arith.constant 0 : i32
        %dma_start3A_426 = tpu.memref_slice %arg4[%add3A_414, %dma_start3A_425] : memref<2560x128xi32, #tpu.memory_space<hbm>> -> memref<1x128xi32, #tpu.memory_space<hbm>>
        %dma_start3A_427 = tpu.memref_squeeze %dma_start3A_426 : memref<1x128xi32, #tpu.memory_space<hbm>> -> memref<128xi32, #tpu.memory_space<hbm>>
        tpu.enqueue_dma source(%dma_start3A_427 : memref<128xi32, #tpu.memory_space<hbm>>) target(%dma_start3A_424 : memref<128xi32, #tpu.memory_space<vmem>>) target_semaphore(%arg20 : memref<!tpu.dma_semaphore, #tpu.memory_space<semaphore_mem>>)
      } else {
      }
      %dma_wait3A_150 = arith.constant 0 : i32
      %dma_wait3A_151 = arith.constant 0 : i32
      %dma_wait3A_152 = arith.constant 0 : i32
      %dma_wait3A_153 = tpu.memref_slice %arg11[%dma_wait3A_150, %dma_wait3A_151, %dma_wait3A_152] : memref<2x128x128xf32, #tpu.memory_space<vmem>> -> memref<1x128x128xf32, #tpu.memory_space<vmem>>
      %dma_wait3A_154 = tpu.memref_squeeze %dma_wait3A_153 : memref<1x128x128xf32, #tpu.memory_space<vmem>> -> memref<128x128xf32, #tpu.memory_space<vmem>>
      %dma_wait3A_155 = arith.constant 0 : i32
      %dma_wait3A_156 = arith.constant 0 : i32
      %dma_wait3A_157 = tpu.memref_slice %arg2[%dma_wait3A_155, %dma_wait3A_156] : memref<10000x128xf32, #tpu.memory_space<hbm>> -> memref<128x128xf32, #tpu.memory_space<hbm>>
      %dma_wait3A_158 = arith.constant 0 : i32
      %dma_wait3A_159 = arith.constant 0 : i32
      %dma_wait3A_160 = tpu.memref_slice %arg11[%dma_wait3A_150, %dma_wait3A_158, %dma_wait3A_159] : memref<2x128x128xf32, #tpu.memory_space<vmem>> -> memref<1x128x128xf32, #tpu.memory_space<vmem>>
      %dma_wait3A_161 = tpu.memref_squeeze %dma_wait3A_160 : memref<1x128x128xf32, #tpu.memory_space<vmem>> -> memref<128x128xf32, #tpu.memory_space<vmem>>
      %dma_wait3A_162 = arith.constant 0 : i32
      %dma_wait3A_163 = arith.constant 0 : i32
      %dma_wait3A_164 = tpu.memref_slice %arg2[%dma_wait3A_162, %dma_wait3A_163] : memref<10000x128xf32, #tpu.memory_space<hbm>> -> memref<128x128xf32, #tpu.memory_space<hbm>>
      tpu.wait_dma2 semaphore(%arg16 : memref<!tpu.dma_semaphore, #tpu.memory_space<semaphore_mem>>) src(%dma_wait3A_164 : memref<128x128xf32, #tpu.memory_space<hbm>>) dst(%dma_wait3A_161 : memref<128x128xf32, #tpu.memory_space<vmem>>)
      %dma_start3A_165 = arith.constant 0 : i32
      %dma_start3A_166 = arith.constant 0 : i32
      %dma_start3A_167 = arith.constant 0 : i32
      %dma_start3A_168 = arith.constant 0 : i32
      %dma_start3A_169 = tpu.memref_slice %arg11[%dma_start3A_165, %dma_start3A_167, %dma_start3A_168] : memref<2x128x128xf32, #tpu.memory_space<vmem>> -> memref<1x128x128xf32, #tpu.memory_space<vmem>>
      %dma_start3A_170 = tpu.memref_squeeze %dma_start3A_169 : memref<1x128x128xf32, #tpu.memory_space<vmem>> -> memref<128x128xf32, #tpu.memory_space<vmem>>
      %dma_start3A_171 = arith.constant 0 : i32
      %dma_start3A_172 = tpu.memref_slice %arg8[%dma_start3A_166, %dma_start3A_171] : memref<2x128xi32, #tpu.memory_space<vmem>> -> memref<1x128xi32, #tpu.memory_space<vmem>>
      %dma_start3A_173 = tpu.memref_squeeze %dma_start3A_172 : memref<1x128xi32, #tpu.memory_space<vmem>> -> memref<128xi32, #tpu.memory_space<vmem>>
      %dma_start3A_174 = arith.constant 0 : i32
      %dma_start3A_175 = arith.constant 0 : i32
      %dma_start3A_176 = tpu.memref_slice %arg14[%dma_start3A_174, %dma_start3A_175] : memref<10240x128xf32, #tpu.memory_space<vmem_shared>> -> memref<10240x128xf32, #tpu.memory_space<vmem_shared>>
      tpu.enqueue_indirect_dma source(%dma_start3A_170 : memref<128x128xf32, #tpu.memory_space<vmem>>) target(%dma_start3A_176 : memref<10240x128xf32, #tpu.memory_space<vmem_shared>>) offsets(%dma_start3A_173 : memref<128xi32, #tpu.memory_space<vmem>>) semaphore(%arg18 : memref<!tpu.dma_semaphore, #tpu.memory_space<semaphore_mem>>) {add = true}
      %get3A = arith.constant 0 : i32
      %get3A_177 = arith.index_cast %get3A : i32 to index
      %get3A_178 = arith.constant 0 : index
      %get3A_179 = tpu.vector_load %arg8[%get3A_177, %get3A_178] {strides = array<i32>} : memref<2x128xi32, #tpu.memory_space<vmem>>, vector<16xi32>,
      %shift_right_logical3A = arith.constant 7 : i32
      %shift_right_logical3A_180 = vector.broadcast %shift_right_logical3A : i32 to vector<16xi32>
      %shift_right_logical3A_181 = arith.shrui %get3A_179, %shift_right_logical3A_180 : vector<16xi32>
      %and3A = arith.constant 127 : i32
      %and3A_182 = vector.broadcast %and3A : i32 to vector<16xi32>
      %and3A_183 = arith.andi %get3A_179, %and3A_182 : vector<16xi32>
      tpu.vector_store_idx %arg12[%shift_right_logical3A_181, %and3A_183], %broadcast_in_dim3A_3 {add = true} : memref<80x128xf32, #tpu.memory_space<vmem>>[vector<16xi32>, vector<16xi32>], vector<16xf32>,
      %get3A_184 = arith.constant 0 : i32
      %get3A_185 = arith.index_cast %get3A_184 : i32 to index
      %get3A_186 = arith.constant 16 : index
      %get3A_187 = tpu.vector_load %arg8[%get3A_185, %get3A_186] {strides = array<i32>} : memref<2x128xi32, #tpu.memory_space<vmem>>, vector<16xi32>,
      %shift_right_logical3A_188 = arith.constant 7 : i32
      %shift_right_logical3A_189 = vector.broadcast %shift_right_logical3A_188 : i32 to vector<16xi32>
      %shift_right_logical3A_190 = arith.shrui %get3A_187, %shift_right_logical3A_189 : vector<16xi32>
      %and3A_191 = arith.constant 127 : i32
      %and3A_192 = vector.broadcast %and3A_191 : i32 to vector<16xi32>
      %and3A_193 = arith.andi %get3A_187, %and3A_192 : vector<16xi32>
      tpu.vector_store_idx %arg12[%shift_right_logical3A_190, %and3A_193], %broadcast_in_dim3A_3 {add = true} : memref<80x128xf32, #tpu.memory_space<vmem>>[vector<16xi32>, vector<16xi32>], vector<16xf32>,
      %get3A_194 = arith.constant 0 : i32
      %get3A_195 = arith.index_cast %get3A_194 : i32 to index
      %get3A_196 = arith.constant 32 : index
      %get3A_197 = tpu.vector_load %arg8[%get3A_195, %get3A_196] {strides = array<i32>} : memref<2x128xi32, #tpu.memory_space<vmem>>, vector<16xi32>,
      %shift_right_logical3A_198 = arith.constant 7 : i32
      %shift_right_logical3A_199 = vector.broadcast %shift_right_logical3A_198 : i32 to vector<16xi32>
      %shift_right_logical3A_200 = arith.shrui %get3A_197, %shift_right_logical3A_199 : vector<16xi32>
      %and3A_201 = arith.constant 127 : i32
      %and3A_202 = vector.broadcast %and3A_201 : i32 to vector<16xi32>
      %and3A_203 = arith.andi %get3A_197, %and3A_202 : vector<16xi32>
      tpu.vector_store_idx %arg12[%shift_right_logical3A_200, %and3A_203], %broadcast_in_dim3A_3 {add = true} : memref<80x128xf32, #tpu.memory_space<vmem>>[vector<16xi32>, vector<16xi32>], vector<16xf32>,
      %get3A_204 = arith.constant 0 : i32
      %get3A_205 = arith.index_cast %get3A_204 : i32 to index
      %get3A_206 = arith.constant 48 : index
      %get3A_207 = tpu.vector_load %arg8[%get3A_205, %get3A_206] {strides = array<i32>} : memref<2x128xi32, #tpu.memory_space<vmem>>, vector<16xi32>,
      %shift_right_logical3A_208 = arith.constant 7 : i32
      %shift_right_logical3A_209 = vector.broadcast %shift_right_logical3A_208 : i32 to vector<16xi32>
      %shift_right_logical3A_210 = arith.shrui %get3A_207, %shift_right_logical3A_209 : vector<16xi32>
      %and3A_211 = arith.constant 127 : i32
      %and3A_212 = vector.broadcast %and3A_211 : i32 to vector<16xi32>
      %and3A_213 = arith.andi %get3A_207, %and3A_212 : vector<16xi32>
      tpu.vector_store_idx %arg12[%shift_right_logical3A_210, %and3A_213], %broadcast_in_dim3A_3 {add = true} : memref<80x128xf32, #tpu.memory_space<vmem>>[vector<16xi32>, vector<16xi32>], vector<16xf32>,
      %get3A_214 = arith.constant 0 : i32
      %get3A_215 = arith.index_cast %get3A_214 : i32 to index
      %get3A_216 = arith.constant 64 : index
      %get3A_217 = tpu.vector_load %arg8[%get3A_215, %get3A_216] {strides = array<i32>} : memref<2x128xi32, #tpu.memory_space<vmem>>, vector<16xi32>,
      %shift_right_logical3A_218 = arith.constant 7 : i32
      %shift_right_logical3A_219 = vector.broadcast %shift_right_logical3A_218 : i32 to vector<16xi32>
      %shift_right_logical3A_220 = arith.shrui %get3A_217, %shift_right_logical3A_219 : vector<16xi32>
      %and3A_221 = arith.constant 127 : i32
      %and3A_222 = vector.broadcast %and3A_221 : i32 to vector<16xi32>
      %and3A_223 = arith.andi %get3A_217, %and3A_222 : vector<16xi32>
      tpu.vector_store_idx %arg12[%shift_right_logical3A_220, %and3A_223], %broadcast_in_dim3A_3 {add = true} : memref<80x128xf32, #tpu.memory_space<vmem>>[vector<16xi32>, vector<16xi32>], vector<16xf32>,
      %get3A_224 = arith.constant 0 : i32
      %get3A_225 = arith.index_cast %get3A_224 : i32 to index
      %get3A_226 = arith.constant 80 : index
      %get3A_227 = tpu.vector_load %arg8[%get3A_225, %get3A_226] {strides = array<i32>} : memref<2x128xi32, #tpu.memory_space<vmem>>, vector<16xi32>,
      %shift_right_logical3A_228 = arith.constant 7 : i32
      %shift_right_logical3A_229 = vector.broadcast %shift_right_logical3A_228 : i32 to vector<16xi32>
      %shift_right_logical3A_230 = arith.shrui %get3A_227, %shift_right_logical3A_229 : vector<16xi32>
      %and3A_231 = arith.constant 127 : i32
      %and3A_232 = vector.broadcast %and3A_231 : i32 to vector<16xi32>
      %and3A_233 = arith.andi %get3A_227, %and3A_232 : vector<16xi32>
      tpu.vector_store_idx %arg12[%shift_right_logical3A_230, %and3A_233], %broadcast_in_dim3A_3 {add = true} : memref<80x128xf32, #tpu.memory_space<vmem>>[vector<16xi32>, vector<16xi32>], vector<16xf32>,
      %get3A_234 = arith.constant 0 : i32
      %get3A_235 = arith.index_cast %get3A_234 : i32 to index
      %get3A_236 = arith.constant 96 : index
      %get3A_237 = tpu.vector_load %arg8[%get3A_235, %get3A_236] {strides = array<i32>} : memref<2x128xi32, #tpu.memory_space<vmem>>, vector<16xi32>,
      %shift_right_logical3A_238 = arith.constant 7 : i32
      %shift_right_logical3A_239 = vector.broadcast %shift_right_logical3A_238 : i32 to vector<16xi32>
      %shift_right_logical3A_240 = arith.shrui %get3A_237, %shift_right_logical3A_239 : vector<16xi32>
      %and3A_241 = arith.constant 127 : i32
      %and3A_242 = vector.broadcast %and3A_241 : i32 to vector<16xi32>
      %and3A_243 = arith.andi %get3A_237, %and3A_242 : vector<16xi32>
      tpu.vector_store_idx %arg12[%shift_right_logical3A_240, %and3A_243], %broadcast_in_dim3A_3 {add = true} : memref<80x128xf32, #tpu.memory_space<vmem>>[vector<16xi32>, vector<16xi32>], vector<16xf32>,
      %get3A_244 = arith.constant 0 : i32
      %get3A_245 = arith.index_cast %get3A_244 : i32 to index
      %get3A_246 = arith.constant 112 : index
      %get3A_247 = tpu.vector_load %arg8[%get3A_245, %get3A_246] {strides = array<i32>} : memref<2x128xi32, #tpu.memory_space<vmem>>, vector<16xi32>,
      %shift_right_logical3A_248 = arith.constant 7 : i32
      %shift_right_logical3A_249 = vector.broadcast %shift_right_logical3A_248 : i32 to vector<16xi32>
      %shift_right_logical3A_250 = arith.shrui %get3A_247, %shift_right_logical3A_249 : vector<16xi32>
      %and3A_251 = arith.constant 127 : i32
      %and3A_252 = vector.broadcast %and3A_251 : i32 to vector<16xi32>
      %and3A_253 = arith.andi %get3A_247, %and3A_252 : vector<16xi32>
      tpu.vector_store_idx %arg12[%shift_right_logical3A_250, %and3A_253], %broadcast_in_dim3A_3 {add = true} : memref<80x128xf32, #tpu.memory_space<vmem>>[vector<16xi32>, vector<16xi32>], vector<16xf32>,
      %dma_wait3A_254 = arith.constant 1 : i32
      %dma_wait3A_255 = arith.constant 0 : i32
      %dma_wait3A_256 = arith.constant 0 : i32
      %dma_wait3A_257 = tpu.memref_slice %arg11[%dma_wait3A_254, %dma_wait3A_255, %dma_wait3A_256] : memref<2x128x128xf32, #tpu.memory_space<vmem>> -> memref<1x128x128xf32, #tpu.memory_space<vmem>>
      %dma_wait3A_258 = tpu.memref_squeeze %dma_wait3A_257 : memref<1x128x128xf32, #tpu.memory_space<vmem>> -> memref<128x128xf32, #tpu.memory_space<vmem>>
      %dma_wait3A_259 = arith.constant 0 : i32
      %dma_wait3A_260 = arith.constant 0 : i32
      %dma_wait3A_261 = tpu.memref_slice %arg2[%dma_wait3A_259, %dma_wait3A_260] : memref<10000x128xf32, #tpu.memory_space<hbm>> -> memref<128x128xf32, #tpu.memory_space<hbm>>
      %dma_wait3A_262 = arith.constant 0 : i32
      %dma_wait3A_263 = arith.constant 0 : i32
      %dma_wait3A_264 = tpu.memref_slice %arg11[%dma_wait3A_254, %dma_wait3A_262, %dma_wait3A_263] : memref<2x128x128xf32, #tpu.memory_space<vmem>> -> memref<1x128x128xf32, #tpu.memory_space<vmem>>
      %dma_wait3A_265 = tpu.memref_squeeze %dma_wait3A_264 : memref<1x128x128xf32, #tpu.memory_space<vmem>> -> memref<128x128xf32, #tpu.memory_space<vmem>>
      %dma_wait3A_266 = arith.constant 0 : i32
      %dma_wait3A_267 = arith.constant 0 : i32
      %dma_wait3A_268 = tpu.memref_slice %arg2[%dma_wait3A_266, %dma_wait3A_267] : memref<10000x128xf32, #tpu.memory_space<hbm>> -> memref<128x128xf32, #tpu.memory_space<hbm>>
      tpu.wait_dma2 semaphore(%arg17 : memref<!tpu.dma_semaphore, #tpu.memory_space<semaphore_mem>>) src(%dma_wait3A_268 : memref<128x128xf32, #tpu.memory_space<hbm>>) dst(%dma_wait3A_265 : memref<128x128xf32, #tpu.memory_space<vmem>>)
      %dma_start3A_269 = arith.constant 1 : i32
      %dma_start3A_270 = arith.constant 1 : i32
      %dma_start3A_271 = arith.constant 0 : i32
      %dma_start3A_272 = arith.constant 0 : i32
      %dma_start3A_273 = tpu.memref_slice %arg11[%dma_start3A_269, %dma_start3A_271, %dma_start3A_272] : memref<2x128x128xf32, #tpu.memory_space<vmem>> -> memref<1x128x128xf32, #tpu.memory_space<vmem>>
      %dma_start3A_274 = tpu.memref_squeeze %dma_start3A_273 : memref<1x128x128xf32, #tpu.memory_space<vmem>> -> memref<128x128xf32, #tpu.memory_space<vmem>>
      %dma_start3A_275 = arith.constant 0 : i32
      %dma_start3A_276 = tpu.memref_slice %arg8[%dma_start3A_270, %dma_start3A_275] : memref<2x128xi32, #tpu.memory_space<vmem>> -> memref<1x128xi32, #tpu.memory_space<vmem>>
      %dma_start3A_277 = tpu.memref_squeeze %dma_start3A_276 : memref<1x128xi32, #tpu.memory_space<vmem>> -> memref<128xi32, #tpu.memory_space<vmem>>
      %dma_start3A_278 = arith.constant 0 : i32
      %dma_start3A_279 = arith.constant 0 : i32
      %dma_start3A_280 = tpu.memref_slice %arg14[%dma_start3A_278, %dma_start3A_279] : memref<10240x128xf32, #tpu.memory_space<vmem_shared>> -> memref<10240x128xf32, #tpu.memory_space<vmem_shared>>
      tpu.enqueue_indirect_dma source(%dma_start3A_274 : memref<128x128xf32, #tpu.memory_space<vmem>>) target(%dma_start3A_280 : memref<10240x128xf32, #tpu.memory_space<vmem_shared>>) offsets(%dma_start3A_277 : memref<128xi32, #tpu.memory_space<vmem>>) semaphore(%arg19 : memref<!tpu.dma_semaphore, #tpu.memory_space<semaphore_mem>>) {add = true}
      %get3A_281 = arith.constant 1 : i32
      %get3A_282 = arith.index_cast %get3A_281 : i32 to index
      %get3A_283 = arith.constant 0 : index
      %get3A_284 = tpu.vector_load %arg8[%get3A_282, %get3A_283] {strides = array<i32>} : memref<2x128xi32, #tpu.memory_space<vmem>>, vector<16xi32>,
      %shift_right_logical3A_285 = arith.constant 7 : i32
      %shift_right_logical3A_286 = vector.broadcast %shift_right_logical3A_285 : i32 to vector<16xi32>
      %shift_right_logical3A_287 = arith.shrui %get3A_284, %shift_right_logical3A_286 : vector<16xi32>
      %and3A_288 = arith.constant 127 : i32
      %and3A_289 = vector.broadcast %and3A_288 : i32 to vector<16xi32>
      %and3A_290 = arith.andi %get3A_284, %and3A_289 : vector<16xi32>
      tpu.vector_store_idx %arg12[%shift_right_logical3A_287, %and3A_290], %broadcast_in_dim3A_3 {add = true} : memref<80x128xf32, #tpu.memory_space<vmem>>[vector<16xi32>, vector<16xi32>], vector<16xf32>,
      %get3A_291 = arith.constant 1 : i32
      %get3A_292 = arith.index_cast %get3A_291 : i32 to index
      %get3A_293 = arith.constant 16 : index
      %get3A_294 = tpu.vector_load %arg8[%get3A_292, %get3A_293] {strides = array<i32>} : memref<2x128xi32, #tpu.memory_space<vmem>>, vector<16xi32>,
      %shift_right_logical3A_295 = arith.constant 7 : i32
      %shift_right_logical3A_296 = vector.broadcast %shift_right_logical3A_295 : i32 to vector<16xi32>
      %shift_right_logical3A_297 = arith.shrui %get3A_294, %shift_right_logical3A_296 : vector<16xi32>
      %and3A_298 = arith.constant 127 : i32
      %and3A_299 = vector.broadcast %and3A_298 : i32 to vector<16xi32>
      %and3A_300 = arith.andi %get3A_294, %and3A_299 : vector<16xi32>
      tpu.vector_store_idx %arg12[%shift_right_logical3A_297, %and3A_300], %broadcast_in_dim3A_3 {add = true} : memref<80x128xf32, #tpu.memory_space<vmem>>[vector<16xi32>, vector<16xi32>], vector<16xf32>,
      %get3A_301 = arith.constant 1 : i32
      %get3A_302 = arith.index_cast %get3A_301 : i32 to index
      %get3A_303 = arith.constant 32 : index
      %get3A_304 = tpu.vector_load %arg8[%get3A_302, %get3A_303] {strides = array<i32>} : memref<2x128xi32, #tpu.memory_space<vmem>>, vector<16xi32>,
      %shift_right_logical3A_305 = arith.constant 7 : i32
      %shift_right_logical3A_306 = vector.broadcast %shift_right_logical3A_305 : i32 to vector<16xi32>
      %shift_right_logical3A_307 = arith.shrui %get3A_304, %shift_right_logical3A_306 : vector<16xi32>
      %and3A_308 = arith.constant 127 : i32
      %and3A_309 = vector.broadcast %and3A_308 : i32 to vector<16xi32>
      %and3A_310 = arith.andi %get3A_304, %and3A_309 : vector<16xi32>
      tpu.vector_store_idx %arg12[%shift_right_logical3A_307, %and3A_310], %broadcast_in_dim3A_3 {add = true} : memref<80x128xf32, #tpu.memory_space<vmem>>[vector<16xi32>, vector<16xi32>], vector<16xf32>,
      %get3A_311 = arith.constant 1 : i32
      %get3A_312 = arith.index_cast %get3A_311 : i32 to index
      %get3A_313 = arith.constant 48 : index
      %get3A_314 = tpu.vector_load %arg8[%get3A_312, %get3A_313] {strides = array<i32>} : memref<2x128xi32, #tpu.memory_space<vmem>>, vector<16xi32>,
      %shift_right_logical3A_315 = arith.constant 7 : i32
      %shift_right_logical3A_316 = vector.broadcast %shift_right_logical3A_315 : i32 to vector<16xi32>
      %shift_right_logical3A_317 = arith.shrui %get3A_314, %shift_right_logical3A_316 : vector<16xi32>
      %and3A_318 = arith.constant 127 : i32
      %and3A_319 = vector.broadcast %and3A_318 : i32 to vector<16xi32>
      %and3A_320 = arith.andi %get3A_314, %and3A_319 : vector<16xi32>
      tpu.vector_store_idx %arg12[%shift_right_logical3A_317, %and3A_320], %broadcast_in_dim3A_3 {add = true} : memref<80x128xf32, #tpu.memory_space<vmem>>[vector<16xi32>, vector<16xi32>], vector<16xf32>,
      %get3A_321 = arith.constant 1 : i32
      %get3A_322 = arith.index_cast %get3A_321 : i32 to index
      %get3A_323 = arith.constant 64 : index
      %get3A_324 = tpu.vector_load %arg8[%get3A_322, %get3A_323] {strides = array<i32>} : memref<2x128xi32, #tpu.memory_space<vmem>>, vector<16xi32>,
      %shift_right_logical3A_325 = arith.constant 7 : i32
      %shift_right_logical3A_326 = vector.broadcast %shift_right_logical3A_325 : i32 to vector<16xi32>
      %shift_right_logical3A_327 = arith.shrui %get3A_324, %shift_right_logical3A_326 : vector<16xi32>
      %and3A_328 = arith.constant 127 : i32
      %and3A_329 = vector.broadcast %and3A_328 : i32 to vector<16xi32>
      %and3A_330 = arith.andi %get3A_324, %and3A_329 : vector<16xi32>
      tpu.vector_store_idx %arg12[%shift_right_logical3A_327, %and3A_330], %broadcast_in_dim3A_3 {add = true} : memref<80x128xf32, #tpu.memory_space<vmem>>[vector<16xi32>, vector<16xi32>], vector<16xf32>,
      %get3A_331 = arith.constant 1 : i32
      %get3A_332 = arith.index_cast %get3A_331 : i32 to index
      %get3A_333 = arith.constant 80 : index
      %get3A_334 = tpu.vector_load %arg8[%get3A_332, %get3A_333] {strides = array<i32>} : memref<2x128xi32, #tpu.memory_space<vmem>>, vector<16xi32>,
      %shift_right_logical3A_335 = arith.constant 7 : i32
      %shift_right_logical3A_336 = vector.broadcast %shift_right_logical3A_335 : i32 to vector<16xi32>
      %shift_right_logical3A_337 = arith.shrui %get3A_334, %shift_right_logical3A_336 : vector<16xi32>
      %and3A_338 = arith.constant 127 : i32
      %and3A_339 = vector.broadcast %and3A_338 : i32 to vector<16xi32>
      %and3A_340 = arith.andi %get3A_334, %and3A_339 : vector<16xi32>
      tpu.vector_store_idx %arg12[%shift_right_logical3A_337, %and3A_340], %broadcast_in_dim3A_3 {add = true} : memref<80x128xf32, #tpu.memory_space<vmem>>[vector<16xi32>, vector<16xi32>], vector<16xf32>,
      %get3A_341 = arith.constant 1 : i32
      %get3A_342 = arith.index_cast %get3A_341 : i32 to index
      %get3A_343 = arith.constant 96 : index
      %get3A_344 = tpu.vector_load %arg8[%get3A_342, %get3A_343] {strides = array<i32>} : memref<2x128xi32, #tpu.memory_space<vmem>>, vector<16xi32>,
      %shift_right_logical3A_345 = arith.constant 7 : i32
      %shift_right_logical3A_346 = vector.broadcast %shift_right_logical3A_345 : i32 to vector<16xi32>
      %shift_right_logical3A_347 = arith.shrui %get3A_344, %shift_right_logical3A_346 : vector<16xi32>
      %and3A_348 = arith.constant 127 : i32
      %and3A_349 = vector.broadcast %and3A_348 : i32 to vector<16xi32>
      %and3A_350 = arith.andi %get3A_344, %and3A_349 : vector<16xi32>
      tpu.vector_store_idx %arg12[%shift_right_logical3A_347, %and3A_350], %broadcast_in_dim3A_3 {add = true} : memref<80x128xf32, #tpu.memory_space<vmem>>[vector<16xi32>, vector<16xi32>], vector<16xf32>,
      %get3A_351 = arith.constant 1 : i32
      %get3A_352 = arith.index_cast %get3A_351 : i32 to index
      %get3A_353 = arith.constant 112 : index
      %get3A_354 = tpu.vector_load %arg8[%get3A_352, %get3A_353] {strides = array<i32>} : memref<2x128xi32, #tpu.memory_space<vmem>>, vector<16xi32>,
      %shift_right_logical3A_355 = arith.constant 7 : i32
      %shift_right_logical3A_356 = vector.broadcast %shift_right_logical3A_355 : i32 to vector<16xi32>
      %shift_right_logical3A_357 = arith.shrui %get3A_354, %shift_right_logical3A_356 : vector<16xi32>
      %and3A_358 = arith.constant 127 : i32
      %and3A_359 = vector.broadcast %and3A_358 : i32 to vector<16xi32>
      %and3A_360 = arith.andi %get3A_354, %and3A_359 : vector<16xi32>
      tpu.vector_store_idx %arg12[%shift_right_logical3A_357, %and3A_360], %broadcast_in_dim3A_3 {add = true} : memref<80x128xf32, #tpu.memory_space<vmem>>[vector<16xi32>, vector<16xi32>], vector<16xf32>,
      %convert_element_type3A_361 = arith.extui %lt3A_146 : i1 to i32
      %cond3A_362 = arith.constant 0 : i32
      %cond3A_363 = arith.cmpi ne, %convert_element_type3A_361, %cond3A_362 : i32
      scf.if %cond3A_363 {
        %dma_wait3A_365 = arith.constant 0 : i32
        %dma_wait3A_366 = arith.constant 0 : i32
        %dma_wait3A_367 = arith.constant 0 : i32
        %dma_wait3A_368 = tpu.memref_slice %arg9[%dma_wait3A_366, %dma_wait3A_367] : memref<2x128xi32, #tpu.memory_space<vmem>> -> memref<1x128xi32, #tpu.memory_space<vmem>>
        %dma_wait3A_369 = tpu.memref_squeeze %dma_wait3A_368 : memref<1x128xi32, #tpu.memory_space<vmem>> -> memref<128xi32, #tpu.memory_space<vmem>>
        %dma_wait3A_370 = arith.constant 0 : i32
        %dma_wait3A_371 = tpu.memref_slice %arg3[%dma_wait3A_365, %dma_wait3A_370] : memref<2560x128xi32, #tpu.memory_space<hbm>> -> memref<1x128xi32, #tpu.memory_space<hbm>>
        %dma_wait3A_372 = tpu.memref_squeeze %dma_wait3A_371 : memref<1x128xi32, #tpu.memory_space<hbm>> -> memref<128xi32, #tpu.memory_space<hbm>>
        %dma_wait3A_373 = arith.constant 0 : i32
        %dma_wait3A_374 = tpu.memref_slice %arg9[%dma_wait3A_366, %dma_wait3A_373] : memref<2x128xi32, #tpu.memory_space<vmem>> -> memref<1x128xi32, #tpu.memory_space<vmem>>
        %dma_wait3A_375 = tpu.memref_squeeze %dma_wait3A_374 : memref<1x128xi32, #tpu.memory_space<vmem>> -> memref<128xi32, #tpu.memory_space<vmem>>
        %dma_wait3A_376 = arith.constant 0 : i32
        %dma_wait3A_377 = tpu.memref_slice %arg3[%dma_wait3A_365, %dma_wait3A_376] : memref<2560x128xi32, #tpu.memory_space<hbm>> -> memref<1x128xi32, #tpu.memory_space<hbm>>
        %dma_wait3A_378 = tpu.memref_squeeze %dma_wait3A_377 : memref<1x128xi32, #tpu.memory_space<hbm>> -> memref<128xi32, #tpu.memory_space<hbm>>
        tpu.wait_dma2 semaphore(%arg20 : memref<!tpu.dma_semaphore, #tpu.memory_space<semaphore_mem>>) src(%dma_wait3A_378 : memref<128xi32, #tpu.memory_space<hbm>>) dst(%dma_wait3A_375 : memref<128xi32, #tpu.memory_space<vmem>>)
        %dma_wait3A_379 = arith.constant 0 : i32
        %dma_wait3A_380 = arith.constant 0 : i32
        %dma_wait3A_381 = arith.constant 0 : i32
        %dma_wait3A_382 = tpu.memref_slice %arg10[%dma_wait3A_380, %dma_wait3A_381] : memref<2x128xi32, #tpu.memory_space<vmem>> -> memref<1x128xi32, #tpu.memory_space<vmem>>
        %dma_wait3A_383 = tpu.memref_squeeze %dma_wait3A_382 : memref<1x128xi32, #tpu.memory_space<vmem>> -> memref<128xi32, #tpu.memory_space<vmem>>
        %dma_wait3A_384 = arith.constant 0 : i32
        %dma_wait3A_385 = tpu.memref_slice %arg4[%dma_wait3A_379, %dma_wait3A_384] : memref<2560x128xi32, #tpu.memory_space<hbm>> -> memref<1x128xi32, #tpu.memory_space<hbm>>
        %dma_wait3A_386 = tpu.memref_squeeze %dma_wait3A_385 : memref<1x128xi32, #tpu.memory_space<hbm>> -> memref<128xi32, #tpu.memory_space<hbm>>
        %dma_wait3A_387 = arith.constant 0 : i32
        %dma_wait3A_388 = tpu.memref_slice %arg10[%dma_wait3A_380, %dma_wait3A_387] : memref<2x128xi32, #tpu.memory_space<vmem>> -> memref<1x128xi32, #tpu.memory_space<vmem>>
        %dma_wait3A_389 = tpu.memref_squeeze %dma_wait3A_388 : memref<1x128xi32, #tpu.memory_space<vmem>> -> memref<128xi32, #tpu.memory_space<vmem>>
        %dma_wait3A_390 = arith.constant 0 : i32
        %dma_wait3A_391 = tpu.memref_slice %arg4[%dma_wait3A_379, %dma_wait3A_390] : memref<2560x128xi32, #tpu.memory_space<hbm>> -> memref<1x128xi32, #tpu.memory_space<hbm>>
        %dma_wait3A_392 = tpu.memref_squeeze %dma_wait3A_391 : memref<1x128xi32, #tpu.memory_space<hbm>> -> memref<128xi32, #tpu.memory_space<hbm>>
        tpu.wait_dma2 semaphore(%arg20 : memref<!tpu.dma_semaphore, #tpu.memory_space<semaphore_mem>>) src(%dma_wait3A_392 : memref<128xi32, #tpu.memory_space<hbm>>) dst(%dma_wait3A_389 : memref<128xi32, #tpu.memory_space<vmem>>)
        %dma_wait3A_393 = arith.constant 0 : i32
        %dma_wait3A_394 = arith.constant 1 : i32
        %dma_wait3A_395 = arith.constant 0 : i32
        %dma_wait3A_396 = tpu.memref_slice %arg9[%dma_wait3A_394, %dma_wait3A_395] : memref<2x128xi32, #tpu.memory_space<vmem>> -> memref<1x128xi32, #tpu.memory_space<vmem>>
        %dma_wait3A_397 = tpu.memref_squeeze %dma_wait3A_396 : memref<1x128xi32, #tpu.memory_space<vmem>> -> memref<128xi32, #tpu.memory_space<vmem>>
        %dma_wait3A_398 = arith.constant 0 : i32
        %dma_wait3A_399 = tpu.memref_slice %arg3[%dma_wait3A_393, %dma_wait3A_398] : memref<2560x128xi32, #tpu.memory_space<hbm>> -> memref<1x128xi32, #tpu.memory_space<hbm>>
        %dma_wait3A_400 = tpu.memref_squeeze %dma_wait3A_399 : memref<1x128xi32, #tpu.memory_space<hbm>> -> memref<128xi32, #tpu.memory_space<hbm>>
        %dma_wait3A_401 = arith.constant 0 : i32
        %dma_wait3A_402 = tpu.memref_slice %arg9[%dma_wait3A_394, %dma_wait3A_401] : memref<2x128xi32, #tpu.memory_space<vmem>> -> memref<1x128xi32, #tpu.memory_space<vmem>>
        %dma_wait3A_403 = tpu.memref_squeeze %dma_wait3A_402 : memref<1x128xi32, #tpu.memory_space<vmem>> -> memref<128xi32, #tpu.memory_space<vmem>>
        %dma_wait3A_404 = arith.constant 0 : i32
        %dma_wait3A_405 = tpu.memref_slice %arg3[%dma_wait3A_393, %dma_wait3A_404] : memref<2560x128xi32, #tpu.memory_space<hbm>> -> memref<1x128xi32, #tpu.memory_space<hbm>>
        %dma_wait3A_406 = tpu.memref_squeeze %dma_wait3A_405 : memref<1x128xi32, #tpu.memory_space<hbm>> -> memref<128xi32, #tpu.memory_space<hbm>>
        tpu.wait_dma2 semaphore(%arg20 : memref<!tpu.dma_semaphore, #tpu.memory_space<semaphore_mem>>) src(%dma_wait3A_406 : memref<128xi32, #tpu.memory_space<hbm>>) dst(%dma_wait3A_403 : memref<128xi32, #tpu.memory_space<vmem>>)
        %dma_wait3A_407 = arith.constant 0 : i32
        %dma_wait3A_408 = arith.constant 1 : i32
        %dma_wait3A_409 = arith.constant 0 : i32
        %dma_wait3A_410 = tpu.memref_slice %arg10[%dma_wait3A_408, %dma_wait3A_409] : memref<2x128xi32, #tpu.memory_space<vmem>> -> memref<1x128xi32, #tpu.memory_space<vmem>>
        %dma_wait3A_411 = tpu.memref_squeeze %dma_wait3A_410 : memref<1x128xi32, #tpu.memory_space<vmem>> -> memref<128xi32, #tpu.memory_space<vmem>>
        %dma_wait3A_412 = arith.constant 0 : i32
        %dma_wait3A_413 = tpu.memref_slice %arg4[%dma_wait3A_407, %dma_wait3A_412] : memref<2560x128xi32, #tpu.memory_space<hbm>> -> memref<1x128xi32, #tpu.memory_space<hbm>>
        %dma_wait3A_414 = tpu.memref_squeeze %dma_wait3A_413 : memref<1x128xi32, #tpu.memory_space<hbm>> -> memref<128xi32, #tpu.memory_space<hbm>>
        %dma_wait3A_415 = arith.constant 0 : i32
        %dma_wait3A_416 = tpu.memref_slice %arg10[%dma_wait3A_408, %dma_wait3A_415] : memref<2x128xi32, #tpu.memory_space<vmem>> -> memref<1x128xi32, #tpu.memory_space<vmem>>
        %dma_wait3A_417 = tpu.memref_squeeze %dma_wait3A_416 : memref<1x128xi32, #tpu.memory_space<vmem>> -> memref<128xi32, #tpu.memory_space<vmem>>
        %dma_wait3A_418 = arith.constant 0 : i32
        %dma_wait3A_419 = tpu.memref_slice %arg4[%dma_wait3A_407, %dma_wait3A_418] : memref<2560x128xi32, #tpu.memory_space<hbm>> -> memref<1x128xi32, #tpu.memory_space<hbm>>
        %dma_wait3A_420 = tpu.memref_squeeze %dma_wait3A_419 : memref<1x128xi32, #tpu.memory_space<hbm>> -> memref<128xi32, #tpu.memory_space<hbm>>
        tpu.wait_dma2 semaphore(%arg20 : memref<!tpu.dma_semaphore, #tpu.memory_space<semaphore_mem>>) src(%dma_wait3A_420 : memref<128xi32, #tpu.memory_space<hbm>>) dst(%dma_wait3A_417 : memref<128xi32, #tpu.memory_space<vmem>>)
        %dma_wait3A_421 = arith.constant 0 : i32
        %dma_wait3A_422 = arith.constant 0 : i32
        %dma_wait3A_423 = arith.constant 0 : i32
        %dma_wait3A_424 = tpu.memref_slice %arg11[%dma_wait3A_421, %dma_wait3A_422, %dma_wait3A_423] : memref<2x128x128xf32, #tpu.memory_space<vmem>> -> memref<1x128x128xf32, #tpu.memory_space<vmem>>
        %dma_wait3A_425 = tpu.memref_squeeze %dma_wait3A_424 : memref<1x128x128xf32, #tpu.memory_space<vmem>> -> memref<128x128xf32, #tpu.memory_space<vmem>>
        %dma_wait3A_426 = arith.constant 0 : i32
        %dma_wait3A_427 = arith.constant 0 : i32
        %dma_wait3A_428 = tpu.memref_slice %arg14[%dma_wait3A_426, %dma_wait3A_427] : memref<10240x128xf32, #tpu.memory_space<vmem_shared>> -> memref<128x128xf32, #tpu.memory_space<vmem_shared>>
        %dma_wait3A_429 = arith.constant 0 : i32
        %dma_wait3A_430 = arith.constant 0 : i32
        %dma_wait3A_431 = tpu.memref_slice %arg14[%dma_wait3A_429, %dma_wait3A_430] : memref<10240x128xf32, #tpu.memory_space<vmem_shared>> -> memref<128x128xf32, #tpu.memory_space<vmem_shared>>
        %dma_wait3A_432 = arith.constant 0 : i32
        %dma_wait3A_433 = arith.constant 0 : i32
        %dma_wait3A_434 = tpu.memref_slice %arg11[%dma_wait3A_421, %dma_wait3A_432, %dma_wait3A_433] : memref<2x128x128xf32, #tpu.memory_space<vmem>> -> memref<1x128x128xf32, #tpu.memory_space<vmem>>
        %dma_wait3A_435 = tpu.memref_squeeze %dma_wait3A_434 : memref<1x128x128xf32, #tpu.memory_space<vmem>> -> memref<128x128xf32, #tpu.memory_space<vmem>>
        tpu.wait_dma2 semaphore(%arg18 : memref<!tpu.dma_semaphore, #tpu.memory_space<semaphore_mem>>) src(%dma_wait3A_435 : memref<128x128xf32, #tpu.memory_space<vmem>>) dst(%dma_wait3A_431 : memref<128x128xf32, #tpu.memory_space<vmem_shared>>)
        %get3A_436 = arith.constant 0 : i32
        %get3A_437 = arith.index_cast %get3A_436 : i32 to index
        %get3A_438 = arith.constant 0 : index
        %get3A_439 = tpu.vector_load %arg9[%get3A_437, %get3A_438] {strides = array<i32>} : memref<2x128xi32, #tpu.memory_space<vmem>>, vector<16xi32>,
        %swap3A_440 = arith.constant 0 : i32
        %swap3A_441 = arith.index_cast %swap3A_440 : i32 to index
        %swap3A_442 = arith.constant 0 : index
        %swap3A_443 = tpu.vector_load %arg7[%swap3A_441, %swap3A_442] {strides = array<i32>} : memref<2x128xi32, #tpu.memory_space<vmem>>, vector<16xi32>,
        tpu.vector_store %arg7[%swap3A_441, %swap3A_442], %get3A_439 {strides = array<i32>} : memref<2x128xi32, #tpu.memory_space<vmem>>, vector<16xi32>,
        %get3A_444 = arith.constant 0 : i32
        %get3A_445 = arith.index_cast %get3A_444 : i32 to index
        %get3A_446 = arith.constant 0 : index
        %get3A_447 = tpu.vector_load %arg10[%get3A_445, %get3A_446] {strides = array<i32>} : memref<2x128xi32, #tpu.memory_space<vmem>>, vector<16xi32>,
        %swap3A_448 = arith.constant 0 : i32
        %swap3A_449 = arith.index_cast %swap3A_448 : i32 to index
        %swap3A_450 = arith.constant 0 : index
        %swap3A_451 = tpu.vector_load %arg8[%swap3A_449, %swap3A_450] {strides = array<i32>} : memref<2x128xi32, #tpu.memory_space<vmem>>, vector<16xi32>,
        tpu.vector_store %arg8[%swap3A_449, %swap3A_450], %get3A_447 {strides = array<i32>} : memref<2x128xi32, #tpu.memory_space<vmem>>, vector<16xi32>,
        %get3A_452 = arith.constant 0 : i32
        %get3A_453 = arith.index_cast %get3A_452 : i32 to index
        %get3A_454 = arith.constant 16 : index
        %get3A_455 = tpu.vector_load %arg9[%get3A_453, %get3A_454] {strides = array<i32>} : memref<2x128xi32, #tpu.memory_space<vmem>>, vector<16xi32>,
        %swap3A_456 = arith.constant 0 : i32
        %swap3A_457 = arith.index_cast %swap3A_456 : i32 to index
        %swap3A_458 = arith.constant 16 : index
        %swap3A_459 = tpu.vector_load %arg7[%swap3A_457, %swap3A_458] {strides = array<i32>} : memref<2x128xi32, #tpu.memory_space<vmem>>, vector<16xi32>,
        tpu.vector_store %arg7[%swap3A_457, %swap3A_458], %get3A_455 {strides = array<i32>} : memref<2x128xi32, #tpu.memory_space<vmem>>, vector<16xi32>,
        %get3A_460 = arith.constant 0 : i32
        %get3A_461 = arith.index_cast %get3A_460 : i32 to index
        %get3A_462 = arith.constant 16 : index
        %get3A_463 = tpu.vector_load %arg10[%get3A_461, %get3A_462] {strides = array<i32>} : memref<2x128xi32, #tpu.memory_space<vmem>>, vector<16xi32>,
        %swap3A_464 = arith.constant 0 : i32
        %swap3A_465 = arith.index_cast %swap3A_464 : i32 to index
        %swap3A_466 = arith.constant 16 : index
        %swap3A_467 = tpu.vector_load %arg8[%swap3A_465, %swap3A_466] {strides = array<i32>} : memref<2x128xi32, #tpu.memory_space<vmem>>, vector<16xi32>,
        tpu.vector_store %arg8[%swap3A_465, %swap3A_466], %get3A_463 {strides = array<i32>} : memref<2x128xi32, #tpu.memory_space<vmem>>, vector<16xi32>,
        %get3A_468 = arith.constant 0 : i32
        %get3A_469 = arith.index_cast %get3A_468 : i32 to index
        %get3A_470 = arith.constant 32 : index
        %get3A_471 = tpu.vector_load %arg9[%get3A_469, %get3A_470] {strides = array<i32>} : memref<2x128xi32, #tpu.memory_space<vmem>>, vector<16xi32>,
        %swap3A_472 = arith.constant 0 : i32
        %swap3A_473 = arith.index_cast %swap3A_472 : i32 to index
        %swap3A_474 = arith.constant 32 : index
        %swap3A_475 = tpu.vector_load %arg7[%swap3A_473, %swap3A_474] {strides = array<i32>} : memref<2x128xi32, #tpu.memory_space<vmem>>, vector<16xi32>,
        tpu.vector_store %arg7[%swap3A_473, %swap3A_474], %get3A_471 {strides = array<i32>} : memref<2x128xi32, #tpu.memory_space<vmem>>, vector<16xi32>,
        %get3A_476 = arith.constant 0 : i32
        %get3A_477 = arith.index_cast %get3A_476 : i32 to index
        %get3A_478 = arith.constant 32 : index
        %get3A_479 = tpu.vector_load %arg10[%get3A_477, %get3A_478] {strides = array<i32>} : memref<2x128xi32, #tpu.memory_space<vmem>>, vector<16xi32>,
        %swap3A_480 = arith.constant 0 : i32
        %swap3A_481 = arith.index_cast %swap3A_480 : i32 to index
        %swap3A_482 = arith.constant 32 : index
        %swap3A_483 = tpu.vector_load %arg8[%swap3A_481, %swap3A_482] {strides = array<i32>} : memref<2x128xi32, #tpu.memory_space<vmem>>, vector<16xi32>,
        tpu.vector_store %arg8[%swap3A_481, %swap3A_482], %get3A_479 {strides = array<i32>} : memref<2x128xi32, #tpu.memory_space<vmem>>, vector<16xi32>,
        %get3A_484 = arith.constant 0 : i32
        %get3A_485 = arith.index_cast %get3A_484 : i32 to index
        %get3A_486 = arith.constant 48 : index
        %get3A_487 = tpu.vector_load %arg9[%get3A_485, %get3A_486] {strides = array<i32>} : memref<2x128xi32, #tpu.memory_space<vmem>>, vector<16xi32>,
        %swap3A_488 = arith.constant 0 : i32
        %swap3A_489 = arith.index_cast %swap3A_488 : i32 to index
        %swap3A_490 = arith.constant 48 : index
        %swap3A_491 = tpu.vector_load %arg7[%swap3A_489, %swap3A_490] {strides = array<i32>} : memref<2x128xi32, #tpu.memory_space<vmem>>, vector<16xi32>,
        tpu.vector_store %arg7[%swap3A_489, %swap3A_490], %get3A_487 {strides = array<i32>} : memref<2x128xi32, #tpu.memory_space<vmem>>, vector<16xi32>,
        %get3A_492 = arith.constant 0 : i32
        %get3A_493 = arith.index_cast %get3A_492 : i32 to index
        %get3A_494 = arith.constant 48 : index
        %get3A_495 = tpu.vector_load %arg10[%get3A_493, %get3A_494] {strides = array<i32>} : memref<2x128xi32, #tpu.memory_space<vmem>>, vector<16xi32>,
        %swap3A_496 = arith.constant 0 : i32
        %swap3A_497 = arith.index_cast %swap3A_496 : i32 to index
        %swap3A_498 = arith.constant 48 : index
        %swap3A_499 = tpu.vector_load %arg8[%swap3A_497, %swap3A_498] {strides = array<i32>} : memref<2x128xi32, #tpu.memory_space<vmem>>, vector<16xi32>,
        tpu.vector_store %arg8[%swap3A_497, %swap3A_498], %get3A_495 {strides = array<i32>} : memref<2x128xi32, #tpu.memory_space<vmem>>, vector<16xi32>,
        %get3A_500 = arith.constant 0 : i32
        %get3A_501 = arith.index_cast %get3A_500 : i32 to index
        %get3A_502 = arith.constant 64 : index
        %get3A_503 = tpu.vector_load %arg9[%get3A_501, %get3A_502] {strides = array<i32>} : memref<2x128xi32, #tpu.memory_space<vmem>>, vector<16xi32>,
        %swap3A_504 = arith.constant 0 : i32
        %swap3A_505 = arith.index_cast %swap3A_504 : i32 to index
        %swap3A_506 = arith.constant 64 : index
        %swap3A_507 = tpu.vector_load %arg7[%swap3A_505, %swap3A_506] {strides = array<i32>} : memref<2x128xi32, #tpu.memory_space<vmem>>, vector<16xi32>,
        tpu.vector_store %arg7[%swap3A_505, %swap3A_506], %get3A_503 {strides = array<i32>} : memref<2x128xi32, #tpu.memory_space<vmem>>, vector<16xi32>,
        %get3A_508 = arith.constant 0 : i32
        %get3A_509 = arith.index_cast %get3A_508 : i32 to index
        %get3A_510 = arith.constant 64 : index
        %get3A_511 = tpu.vector_load %arg10[%get3A_509, %get3A_510] {strides = array<i32>} : memref<2x128xi32, #tpu.memory_space<vmem>>, vector<16xi32>,
        %swap3A_512 = arith.constant 0 : i32
        %swap3A_513 = arith.index_cast %swap3A_512 : i32 to index
        %swap3A_514 = arith.constant 64 : index
        %swap3A_515 = tpu.vector_load %arg8[%swap3A_513, %swap3A_514] {strides = array<i32>} : memref<2x128xi32, #tpu.memory_space<vmem>>, vector<16xi32>,
        tpu.vector_store %arg8[%swap3A_513, %swap3A_514], %get3A_511 {strides = array<i32>} : memref<2x128xi32, #tpu.memory_space<vmem>>, vector<16xi32>,
        %get3A_516 = arith.constant 0 : i32
        %get3A_517 = arith.index_cast %get3A_516 : i32 to index
        %get3A_518 = arith.constant 80 : index
        %get3A_519 = tpu.vector_load %arg9[%get3A_517, %get3A_518] {strides = array<i32>} : memref<2x128xi32, #tpu.memory_space<vmem>>, vector<16xi32>,
        %swap3A_520 = arith.constant 0 : i32
        %swap3A_521 = arith.index_cast %swap3A_520 : i32 to index
        %swap3A_522 = arith.constant 80 : index
        %swap3A_523 = tpu.vector_load %arg7[%swap3A_521, %swap3A_522] {strides = array<i32>} : memref<2x128xi32, #tpu.memory_space<vmem>>, vector<16xi32>,
        tpu.vector_store %arg7[%swap3A_521, %swap3A_522], %get3A_519 {strides = array<i32>} : memref<2x128xi32, #tpu.memory_space<vmem>>, vector<16xi32>,
        %get3A_524 = arith.constant 0 : i32
        %get3A_525 = arith.index_cast %get3A_524 : i32 to index
        %get3A_526 = arith.constant 80 : index
        %get3A_527 = tpu.vector_load %arg10[%get3A_525, %get3A_526] {strides = array<i32>} : memref<2x128xi32, #tpu.memory_space<vmem>>, vector<16xi32>,
        %swap3A_528 = arith.constant 0 : i32
        %swap3A_529 = arith.index_cast %swap3A_528 : i32 to index
        %swap3A_530 = arith.constant 80 : index
        %swap3A_531 = tpu.vector_load %arg8[%swap3A_529, %swap3A_530] {strides = array<i32>} : memref<2x128xi32, #tpu.memory_space<vmem>>, vector<16xi32>,
        tpu.vector_store %arg8[%swap3A_529, %swap3A_530], %get3A_527 {strides = array<i32>} : memref<2x128xi32, #tpu.memory_space<vmem>>, vector<16xi32>,
        %get3A_532 = arith.constant 0 : i32
        %get3A_533 = arith.index_cast %get3A_532 : i32 to index
        %get3A_534 = arith.constant 96 : index
        %get3A_535 = tpu.vector_load %arg9[%get3A_533, %get3A_534] {strides = array<i32>} : memref<2x128xi32, #tpu.memory_space<vmem>>, vector<16xi32>,
        %swap3A_536 = arith.constant 0 : i32
        %swap3A_537 = arith.index_cast %swap3A_536 : i32 to index
        %swap3A_538 = arith.constant 96 : index
        %swap3A_539 = tpu.vector_load %arg7[%swap3A_537, %swap3A_538] {strides = array<i32>} : memref<2x128xi32, #tpu.memory_space<vmem>>, vector<16xi32>,
        tpu.vector_store %arg7[%swap3A_537, %swap3A_538], %get3A_535 {strides = array<i32>} : memref<2x128xi32, #tpu.memory_space<vmem>>, vector<16xi32>,
        %get3A_540 = arith.constant 0 : i32
        %get3A_541 = arith.index_cast %get3A_540 : i32 to index
        %get3A_542 = arith.constant 96 : index
        %get3A_543 = tpu.vector_load %arg10[%get3A_541, %get3A_542] {strides = array<i32>} : memref<2x128xi32, #tpu.memory_space<vmem>>, vector<16xi32>,
        %swap3A_544 = arith.constant 0 : i32
        %swap3A_545 = arith.index_cast %swap3A_544 : i32 to index
        %swap3A_546 = arith.constant 96 : index
        %swap3A_547 = tpu.vector_load %arg8[%swap3A_545, %swap3A_546] {strides = array<i32>} : memref<2x128xi32, #tpu.memory_space<vmem>>, vector<16xi32>,
        tpu.vector_store %arg8[%swap3A_545, %swap3A_546], %get3A_543 {strides = array<i32>} : memref<2x128xi32, #tpu.memory_space<vmem>>, vector<16xi32>,
        %get3A_548 = arith.constant 0 : i32
        %get3A_549 = arith.index_cast %get3A_548 : i32 to index
        %get3A_550 = arith.constant 112 : index
        %get3A_551 = tpu.vector_load %arg9[%get3A_549, %get3A_550] {strides = array<i32>} : memref<2x128xi32, #tpu.memory_space<vmem>>, vector<16xi32>,
        %swap3A_552 = arith.constant 0 : i32
        %swap3A_553 = arith.index_cast %swap3A_552 : i32 to index
        %swap3A_554 = arith.constant 112 : index
        %swap3A_555 = tpu.vector_load %arg7[%swap3A_553, %swap3A_554] {strides = array<i32>} : memref<2x128xi32, #tpu.memory_space<vmem>>, vector<16xi32>,
        tpu.vector_store %arg7[%swap3A_553, %swap3A_554], %get3A_551 {strides = array<i32>} : memref<2x128xi32, #tpu.memory_space<vmem>>, vector<16xi32>,
        %get3A_556 = arith.constant 0 : i32
        %get3A_557 = arith.index_cast %get3A_556 : i32 to index
        %get3A_558 = arith.constant 112 : index
        %get3A_559 = tpu.vector_load %arg10[%get3A_557, %get3A_558] {strides = array<i32>} : memref<2x128xi32, #tpu.memory_space<vmem>>, vector<16xi32>,
        %swap3A_560 = arith.constant 0 : i32
        %swap3A_561 = arith.index_cast %swap3A_560 : i32 to index
        %swap3A_562 = arith.constant 112 : index
        %swap3A_563 = tpu.vector_load %arg8[%swap3A_561, %swap3A_562] {strides = array<i32>} : memref<2x128xi32, #tpu.memory_space<vmem>>, vector<16xi32>,
        tpu.vector_store %arg8[%swap3A_561, %swap3A_562], %get3A_559 {strides = array<i32>} : memref<2x128xi32, #tpu.memory_space<vmem>>, vector<16xi32>,
        %dma_start3A_564 = arith.constant 0 : i32
        %dma_start3A_565 = arith.constant 0 : i32
        %dma_start3A_566 = arith.constant 0 : i32
        %dma_start3A_567 = arith.constant 0 : i32
        %dma_start3A_568 = tpu.memref_slice %arg11[%dma_start3A_565, %dma_start3A_566, %dma_start3A_567] : memref<2x128x128xf32, #tpu.memory_space<vmem>> -> memref<1x128x128xf32, #tpu.memory_space<vmem>>
        %dma_start3A_569 = tpu.memref_squeeze %dma_start3A_568 : memref<1x128x128xf32, #tpu.memory_space<vmem>> -> memref<128x128xf32, #tpu.memory_space<vmem>>
        %dma_start3A_570 = arith.constant 0 : i32
        %dma_start3A_571 = tpu.memref_slice %arg7[%dma_start3A_564, %dma_start3A_570] : memref<2x128xi32, #tpu.memory_space<vmem>> -> memref<1x128xi32, #tpu.memory_space<vmem>>
        %dma_start3A_572 = tpu.memref_squeeze %dma_start3A_571 : memref<1x128xi32, #tpu.memory_space<vmem>> -> memref<128xi32, #tpu.memory_space<vmem>>
        %dma_start3A_573 = arith.constant 0 : i32
        %dma_start3A_574 = arith.constant 0 : i32
        %dma_start3A_575 = tpu.memref_slice %arg2[%dma_start3A_573, %dma_start3A_574] : memref<10000x128xf32, #tpu.memory_space<hbm>> -> memref<10000x128xf32, #tpu.memory_space<hbm>>
        tpu.enqueue_indirect_dma source(%dma_start3A_575 : memref<10000x128xf32, #tpu.memory_space<hbm>>) target(%dma_start3A_569 : memref<128x128xf32, #tpu.memory_space<vmem>>) offsets(%dma_start3A_572 : memref<128xi32, #tpu.memory_space<vmem>>) semaphore(%arg16 : memref<!tpu.dma_semaphore, #tpu.memory_space<semaphore_mem>>)
        %dma_wait3A_576 = arith.constant 1 : i32
        %dma_wait3A_577 = arith.constant 0 : i32
        %dma_wait3A_578 = arith.constant 0 : i32
        %dma_wait3A_579 = tpu.memref_slice %arg11[%dma_wait3A_576, %dma_wait3A_577, %dma_wait3A_578] : memref<2x128x128xf32, #tpu.memory_space<vmem>> -> memref<1x128x128xf32, #tpu.memory_space<vmem>>
        %dma_wait3A_580 = tpu.memref_squeeze %dma_wait3A_579 : memref<1x128x128xf32, #tpu.memory_space<vmem>> -> memref<128x128xf32, #tpu.memory_space<vmem>>
        %dma_wait3A_581 = arith.constant 0 : i32
        %dma_wait3A_582 = arith.constant 0 : i32
        %dma_wait3A_583 = tpu.memref_slice %arg14[%dma_wait3A_581, %dma_wait3A_582] : memref<10240x128xf32, #tpu.memory_space<vmem_shared>> -> memref<128x128xf32, #tpu.memory_space<vmem_shared>>
        %dma_wait3A_584 = arith.constant 0 : i32
        %dma_wait3A_585 = arith.constant 0 : i32
        %dma_wait3A_586 = tpu.memref_slice %arg14[%dma_wait3A_584, %dma_wait3A_585] : memref<10240x128xf32, #tpu.memory_space<vmem_shared>> -> memref<128x128xf32, #tpu.memory_space<vmem_shared>>
        %dma_wait3A_587 = arith.constant 0 : i32
        %dma_wait3A_588 = arith.constant 0 : i32
        %dma_wait3A_589 = tpu.memref_slice %arg11[%dma_wait3A_576, %dma_wait3A_587, %dma_wait3A_588] : memref<2x128x128xf32, #tpu.memory_space<vmem>> -> memref<1x128x128xf32, #tpu.memory_space<vmem>>
        %dma_wait3A_590 = tpu.memref_squeeze %dma_wait3A_589 : memref<1x128x128xf32, #tpu.memory_space<vmem>> -> memref<128x128xf32, #tpu.memory_space<vmem>>
        tpu.wait_dma2 semaphore(%arg19 : memref<!tpu.dma_semaphore, #tpu.memory_space<semaphore_mem>>) src(%dma_wait3A_590 : memref<128x128xf32, #tpu.memory_space<vmem>>) dst(%dma_wait3A_586 : memref<128x128xf32, #tpu.memory_space<vmem_shared>>)
        %get3A_591 = arith.constant 1 : i32
        %get3A_592 = arith.index_cast %get3A_591 : i32 to index
        %get3A_593 = arith.constant 0 : index
        %get3A_594 = tpu.vector_load %arg9[%get3A_592, %get3A_593] {strides = array<i32>} : memref<2x128xi32, #tpu.memory_space<vmem>>, vector<16xi32>,
        %swap3A_595 = arith.constant 1 : i32
        %swap3A_596 = arith.index_cast %swap3A_595 : i32 to index
        %swap3A_597 = arith.constant 0 : index
        %swap3A_598 = tpu.vector_load %arg7[%swap3A_596, %swap3A_597] {strides = array<i32>} : memref<2x128xi32, #tpu.memory_space<vmem>>, vector<16xi32>,
        tpu.vector_store %arg7[%swap3A_596, %swap3A_597], %get3A_594 {strides = array<i32>} : memref<2x128xi32, #tpu.memory_space<vmem>>, vector<16xi32>,
        %get3A_599 = arith.constant 1 : i32
        %get3A_600 = arith.index_cast %get3A_599 : i32 to index
        %get3A_601 = arith.constant 0 : index
        %get3A_602 = tpu.vector_load %arg10[%get3A_600, %get3A_601] {strides = array<i32>} : memref<2x128xi32, #tpu.memory_space<vmem>>, vector<16xi32>,
        %swap3A_603 = arith.constant 1 : i32
        %swap3A_604 = arith.index_cast %swap3A_603 : i32 to index
        %swap3A_605 = arith.constant 0 : index
        %swap3A_606 = tpu.vector_load %arg8[%swap3A_604, %swap3A_605] {strides = array<i32>} : memref<2x128xi32, #tpu.memory_space<vmem>>, vector<16xi32>,
        tpu.vector_store %arg8[%swap3A_604, %swap3A_605], %get3A_602 {strides = array<i32>} : memref<2x128xi32, #tpu.memory_space<vmem>>, vector<16xi32>,
        %get3A_607 = arith.constant 1 : i32
        %get3A_608 = arith.index_cast %get3A_607 : i32 to index
        %get3A_609 = arith.constant 16 : index
        %get3A_610 = tpu.vector_load %arg9[%get3A_608, %get3A_609] {strides = array<i32>} : memref<2x128xi32, #tpu.memory_space<vmem>>, vector<16xi32>,
        %swap3A_611 = arith.constant 1 : i32
        %swap3A_612 = arith.index_cast %swap3A_611 : i32 to index
        %swap3A_613 = arith.constant 16 : index
        %swap3A_614 = tpu.vector_load %arg7[%swap3A_612, %swap3A_613] {strides = array<i32>} : memref<2x128xi32, #tpu.memory_space<vmem>>, vector<16xi32>,
        tpu.vector_store %arg7[%swap3A_612, %swap3A_613], %get3A_610 {strides = array<i32>} : memref<2x128xi32, #tpu.memory_space<vmem>>, vector<16xi32>,
        %get3A_615 = arith.constant 1 : i32
        %get3A_616 = arith.index_cast %get3A_615 : i32 to index
        %get3A_617 = arith.constant 16 : index
        %get3A_618 = tpu.vector_load %arg10[%get3A_616, %get3A_617] {strides = array<i32>} : memref<2x128xi32, #tpu.memory_space<vmem>>, vector<16xi32>,
        %swap3A_619 = arith.constant 1 : i32
        %swap3A_620 = arith.index_cast %swap3A_619 : i32 to index
        %swap3A_621 = arith.constant 16 : index
        %swap3A_622 = tpu.vector_load %arg8[%swap3A_620, %swap3A_621] {strides = array<i32>} : memref<2x128xi32, #tpu.memory_space<vmem>>, vector<16xi32>,
        tpu.vector_store %arg8[%swap3A_620, %swap3A_621], %get3A_618 {strides = array<i32>} : memref<2x128xi32, #tpu.memory_space<vmem>>, vector<16xi32>,
        %get3A_623 = arith.constant 1 : i32
        %get3A_624 = arith.index_cast %get3A_623 : i32 to index
        %get3A_625 = arith.constant 32 : index
        %get3A_626 = tpu.vector_load %arg9[%get3A_624, %get3A_625] {strides = array<i32>} : memref<2x128xi32, #tpu.memory_space<vmem>>, vector<16xi32>,
        %swap3A_627 = arith.constant 1 : i32
        %swap3A_628 = arith.index_cast %swap3A_627 : i32 to index
        %swap3A_629 = arith.constant 32 : index
        %swap3A_630 = tpu.vector_load %arg7[%swap3A_628, %swap3A_629] {strides = array<i32>} : memref<2x128xi32, #tpu.memory_space<vmem>>, vector<16xi32>,
        tpu.vector_store %arg7[%swap3A_628, %swap3A_629], %get3A_626 {strides = array<i32>} : memref<2x128xi32, #tpu.memory_space<vmem>>, vector<16xi32>,
        %get3A_631 = arith.constant 1 : i32
        %get3A_632 = arith.index_cast %get3A_631 : i32 to index
        %get3A_633 = arith.constant 32 : index
        %get3A_634 = tpu.vector_load %arg10[%get3A_632, %get3A_633] {strides = array<i32>} : memref<2x128xi32, #tpu.memory_space<vmem>>, vector<16xi32>,
        %swap3A_635 = arith.constant 1 : i32
        %swap3A_636 = arith.index_cast %swap3A_635 : i32 to index
        %swap3A_637 = arith.constant 32 : index
        %swap3A_638 = tpu.vector_load %arg8[%swap3A_636, %swap3A_637] {strides = array<i32>} : memref<2x128xi32, #tpu.memory_space<vmem>>, vector<16xi32>,
        tpu.vector_store %arg8[%swap3A_636, %swap3A_637], %get3A_634 {strides = array<i32>} : memref<2x128xi32, #tpu.memory_space<vmem>>, vector<16xi32>,
        %get3A_639 = arith.constant 1 : i32
        %get3A_640 = arith.index_cast %get3A_639 : i32 to index
        %get3A_641 = arith.constant 48 : index
        %get3A_642 = tpu.vector_load %arg9[%get3A_640, %get3A_641] {strides = array<i32>} : memref<2x128xi32, #tpu.memory_space<vmem>>, vector<16xi32>,
        %swap3A_643 = arith.constant 1 : i32
        %swap3A_644 = arith.index_cast %swap3A_643 : i32 to index
        %swap3A_645 = arith.constant 48 : index
        %swap3A_646 = tpu.vector_load %arg7[%swap3A_644, %swap3A_645] {strides = array<i32>} : memref<2x128xi32, #tpu.memory_space<vmem>>, vector<16xi32>,
        tpu.vector_store %arg7[%swap3A_644, %swap3A_645], %get3A_642 {strides = array<i32>} : memref<2x128xi32, #tpu.memory_space<vmem>>, vector<16xi32>,
        %get3A_647 = arith.constant 1 : i32
        %get3A_648 = arith.index_cast %get3A_647 : i32 to index
        %get3A_649 = arith.constant 48 : index
        %get3A_650 = tpu.vector_load %arg10[%get3A_648, %get3A_649] {strides = array<i32>} : memref<2x128xi32, #tpu.memory_space<vmem>>, vector<16xi32>,
        %swap3A_651 = arith.constant 1 : i32
        %swap3A_652 = arith.index_cast %swap3A_651 : i32 to index
        %swap3A_653 = arith.constant 48 : index
        %swap3A_654 = tpu.vector_load %arg8[%swap3A_652, %swap3A_653] {strides = array<i32>} : memref<2x128xi32, #tpu.memory_space<vmem>>, vector<16xi32>,
        tpu.vector_store %arg8[%swap3A_652, %swap3A_653], %get3A_650 {strides = array<i32>} : memref<2x128xi32, #tpu.memory_space<vmem>>, vector<16xi32>,
        %get3A_655 = arith.constant 1 : i32
        %get3A_656 = arith.index_cast %get3A_655 : i32 to index
        %get3A_657 = arith.constant 64 : index
        %get3A_658 = tpu.vector_load %arg9[%get3A_656, %get3A_657] {strides = array<i32>} : memref<2x128xi32, #tpu.memory_space<vmem>>, vector<16xi32>,
        %swap3A_659 = arith.constant 1 : i32
        %swap3A_660 = arith.index_cast %swap3A_659 : i32 to index
        %swap3A_661 = arith.constant 64 : index
        %swap3A_662 = tpu.vector_load %arg7[%swap3A_660, %swap3A_661] {strides = array<i32>} : memref<2x128xi32, #tpu.memory_space<vmem>>, vector<16xi32>,
        tpu.vector_store %arg7[%swap3A_660, %swap3A_661], %get3A_658 {strides = array<i32>} : memref<2x128xi32, #tpu.memory_space<vmem>>, vector<16xi32>,
        %get3A_663 = arith.constant 1 : i32
        %get3A_664 = arith.index_cast %get3A_663 : i32 to index
        %get3A_665 = arith.constant 64 : index
        %get3A_666 = tpu.vector_load %arg10[%get3A_664, %get3A_665] {strides = array<i32>} : memref<2x128xi32, #tpu.memory_space<vmem>>, vector<16xi32>,
        %swap3A_667 = arith.constant 1 : i32
        %swap3A_668 = arith.index_cast %swap3A_667 : i32 to index
        %swap3A_669 = arith.constant 64 : index
        %swap3A_670 = tpu.vector_load %arg8[%swap3A_668, %swap3A_669] {strides = array<i32>} : memref<2x128xi32, #tpu.memory_space<vmem>>, vector<16xi32>,
        tpu.vector_store %arg8[%swap3A_668, %swap3A_669], %get3A_666 {strides = array<i32>} : memref<2x128xi32, #tpu.memory_space<vmem>>, vector<16xi32>,
        %get3A_671 = arith.constant 1 : i32
        %get3A_672 = arith.index_cast %get3A_671 : i32 to index
        %get3A_673 = arith.constant 80 : index
        %get3A_674 = tpu.vector_load %arg9[%get3A_672, %get3A_673] {strides = array<i32>} : memref<2x128xi32, #tpu.memory_space<vmem>>, vector<16xi32>,
        %swap3A_675 = arith.constant 1 : i32
        %swap3A_676 = arith.index_cast %swap3A_675 : i32 to index
        %swap3A_677 = arith.constant 80 : index
        %swap3A_678 = tpu.vector_load %arg7[%swap3A_676, %swap3A_677] {strides = array<i32>} : memref<2x128xi32, #tpu.memory_space<vmem>>, vector<16xi32>,
        tpu.vector_store %arg7[%swap3A_676, %swap3A_677], %get3A_674 {strides = array<i32>} : memref<2x128xi32, #tpu.memory_space<vmem>>, vector<16xi32>,
        %get3A_679 = arith.constant 1 : i32
        %get3A_680 = arith.index_cast %get3A_679 : i32 to index
        %get3A_681 = arith.constant 80 : index
        %get3A_682 = tpu.vector_load %arg10[%get3A_680, %get3A_681] {strides = array<i32>} : memref<2x128xi32, #tpu.memory_space<vmem>>, vector<16xi32>,
        %swap3A_683 = arith.constant 1 : i32
        %swap3A_684 = arith.index_cast %swap3A_683 : i32 to index
        %swap3A_685 = arith.constant 80 : index
        %swap3A_686 = tpu.vector_load %arg8[%swap3A_684, %swap3A_685] {strides = array<i32>} : memref<2x128xi32, #tpu.memory_space<vmem>>, vector<16xi32>,
        tpu.vector_store %arg8[%swap3A_684, %swap3A_685], %get3A_682 {strides = array<i32>} : memref<2x128xi32, #tpu.memory_space<vmem>>, vector<16xi32>,
        %get3A_687 = arith.constant 1 : i32
        %get3A_688 = arith.index_cast %get3A_687 : i32 to index
        %get3A_689 = arith.constant 96 : index
        %get3A_690 = tpu.vector_load %arg9[%get3A_688, %get3A_689] {strides = array<i32>} : memref<2x128xi32, #tpu.memory_space<vmem>>, vector<16xi32>,
        %swap3A_691 = arith.constant 1 : i32
        %swap3A_692 = arith.index_cast %swap3A_691 : i32 to index
        %swap3A_693 = arith.constant 96 : index
        %swap3A_694 = tpu.vector_load %arg7[%swap3A_692, %swap3A_693] {strides = array<i32>} : memref<2x128xi32, #tpu.memory_space<vmem>>, vector<16xi32>,
        tpu.vector_store %arg7[%swap3A_692, %swap3A_693], %get3A_690 {strides = array<i32>} : memref<2x128xi32, #tpu.memory_space<vmem>>, vector<16xi32>,
        %get3A_695 = arith.constant 1 : i32
        %get3A_696 = arith.index_cast %get3A_695 : i32 to index
        %get3A_697 = arith.constant 96 : index
        %get3A_698 = tpu.vector_load %arg10[%get3A_696, %get3A_697] {strides = array<i32>} : memref<2x128xi32, #tpu.memory_space<vmem>>, vector<16xi32>,
        %swap3A_699 = arith.constant 1 : i32
        %swap3A_700 = arith.index_cast %swap3A_699 : i32 to index
        %swap3A_701 = arith.constant 96 : index
        %swap3A_702 = tpu.vector_load %arg8[%swap3A_700, %swap3A_701] {strides = array<i32>} : memref<2x128xi32, #tpu.memory_space<vmem>>, vector<16xi32>,
        tpu.vector_store %arg8[%swap3A_700, %swap3A_701], %get3A_698 {strides = array<i32>} : memref<2x128xi32, #tpu.memory_space<vmem>>, vector<16xi32>,
        %get3A_703 = arith.constant 1 : i32
        %get3A_704 = arith.index_cast %get3A_703 : i32 to index
        %get3A_705 = arith.constant 112 : index
        %get3A_706 = tpu.vector_load %arg9[%get3A_704, %get3A_705] {strides = array<i32>} : memref<2x128xi32, #tpu.memory_space<vmem>>, vector<16xi32>,
        %swap3A_707 = arith.constant 1 : i32
        %swap3A_708 = arith.index_cast %swap3A_707 : i32 to index
        %swap3A_709 = arith.constant 112 : index
        %swap3A_710 = tpu.vector_load %arg7[%swap3A_708, %swap3A_709] {strides = array<i32>} : memref<2x128xi32, #tpu.memory_space<vmem>>, vector<16xi32>,
        tpu.vector_store %arg7[%swap3A_708, %swap3A_709], %get3A_706 {strides = array<i32>} : memref<2x128xi32, #tpu.memory_space<vmem>>, vector<16xi32>,
        %get3A_711 = arith.constant 1 : i32
        %get3A_712 = arith.index_cast %get3A_711 : i32 to index
        %get3A_713 = arith.constant 112 : index
        %get3A_714 = tpu.vector_load %arg10[%get3A_712, %get3A_713] {strides = array<i32>} : memref<2x128xi32, #tpu.memory_space<vmem>>, vector<16xi32>,
        %swap3A_715 = arith.constant 1 : i32
        %swap3A_716 = arith.index_cast %swap3A_715 : i32 to index
        %swap3A_717 = arith.constant 112 : index
        %swap3A_718 = tpu.vector_load %arg8[%swap3A_716, %swap3A_717] {strides = array<i32>} : memref<2x128xi32, #tpu.memory_space<vmem>>, vector<16xi32>,
        tpu.vector_store %arg8[%swap3A_716, %swap3A_717], %get3A_714 {strides = array<i32>} : memref<2x128xi32, #tpu.memory_space<vmem>>, vector<16xi32>,
        %dma_start3A_719 = arith.constant 1 : i32
        %dma_start3A_720 = arith.constant 1 : i32
        %dma_start3A_721 = arith.constant 0 : i32
        %dma_start3A_722 = arith.constant 0 : i32
        %dma_start3A_723 = tpu.memref_slice %arg11[%dma_start3A_720, %dma_start3A_721, %dma_start3A_722] : memref<2x128x128xf32, #tpu.memory_space<vmem>> -> memref<1x128x128xf32, #tpu.memory_space<vmem>>
        %dma_start3A_724 = tpu.memref_squeeze %dma_start3A_723 : memref<1x128x128xf32, #tpu.memory_space<vmem>> -> memref<128x128xf32, #tpu.memory_space<vmem>>
        %dma_start3A_725 = arith.constant 0 : i32
        %dma_start3A_726 = tpu.memref_slice %arg7[%dma_start3A_719, %dma_start3A_725] : memref<2x128xi32, #tpu.memory_space<vmem>> -> memref<1x128xi32, #tpu.memory_space<vmem>>
        %dma_start3A_727 = tpu.memref_squeeze %dma_start3A_726 : memref<1x128xi32, #tpu.memory_space<vmem>> -> memref<128xi32, #tpu.memory_space<vmem>>
        %dma_start3A_728 = arith.constant 0 : i32
        %dma_start3A_729 = arith.constant 0 : i32
        %dma_start3A_730 = tpu.memref_slice %arg2[%dma_start3A_728, %dma_start3A_729] : memref<10000x128xf32, #tpu.memory_space<hbm>> -> memref<10000x128xf32, #tpu.memory_space<hbm>>
        tpu.enqueue_indirect_dma source(%dma_start3A_730 : memref<10000x128xf32, #tpu.memory_space<hbm>>) target(%dma_start3A_724 : memref<128x128xf32, #tpu.memory_space<vmem>>) offsets(%dma_start3A_727 : memref<128xi32, #tpu.memory_space<vmem>>) semaphore(%arg17 : memref<!tpu.dma_semaphore, #tpu.memory_space<semaphore_mem>>)
      } else {
      }
      %scan3A_364 = arith.constant 0 : i32
      scf.yield %scan3A_364 : i32
    }
    %scan3A_100 = arith.constant 40 : i32
    %dma_wait3A = arith.constant 0 : i32
    %dma_wait3A_101 = arith.constant 0 : i32
    %dma_wait3A_102 = arith.constant 0 : i32
    %dma_wait3A_103 = tpu.memref_slice %arg11[%dma_wait3A, %dma_wait3A_101, %dma_wait3A_102] : memref<2x128x128xf32, #tpu.memory_space<vmem>> -> memref<1x128x128xf32, #tpu.memory_space<vmem>>
    %dma_wait3A_104 = tpu.memref_squeeze %dma_wait3A_103 : memref<1x128x128xf32, #tpu.memory_space<vmem>> -> memref<128x128xf32, #tpu.memory_space<vmem>>
    %dma_wait3A_105 = arith.constant 0 : i32
    %dma_wait3A_106 = arith.constant 0 : i32
    %dma_wait3A_107 = tpu.memref_slice %arg14[%dma_wait3A_105, %dma_wait3A_106] : memref<10240x128xf32, #tpu.memory_space<vmem_shared>> -> memref<128x128xf32, #tpu.memory_space<vmem_shared>>
    %dma_wait3A_108 = arith.constant 0 : i32
    %dma_wait3A_109 = arith.constant 0 : i32
    %dma_wait3A_110 = tpu.memref_slice %arg14[%dma_wait3A_108, %dma_wait3A_109] : memref<10240x128xf32, #tpu.memory_space<vmem_shared>> -> memref<128x128xf32, #tpu.memory_space<vmem_shared>>
    %dma_wait3A_111 = arith.constant 0 : i32
    %dma_wait3A_112 = arith.constant 0 : i32
    %dma_wait3A_113 = tpu.memref_slice %arg11[%dma_wait3A, %dma_wait3A_111, %dma_wait3A_112] : memref<2x128x128xf32, #tpu.memory_space<vmem>> -> memref<1x128x128xf32, #tpu.memory_space<vmem>>
    %dma_wait3A_114 = tpu.memref_squeeze %dma_wait3A_113 : memref<1x128x128xf32, #tpu.memory_space<vmem>> -> memref<128x128xf32, #tpu.memory_space<vmem>>
    tpu.wait_dma2 semaphore(%arg18 : memref<!tpu.dma_semaphore, #tpu.memory_space<semaphore_mem>>) src(%dma_wait3A_114 : memref<128x128xf32, #tpu.memory_space<vmem>>) dst(%dma_wait3A_110 : memref<128x128xf32, #tpu.memory_space<vmem_shared>>)
    %dma_wait3A_115 = arith.constant 1 : i32
    %dma_wait3A_116 = arith.constant 0 : i32
    %dma_wait3A_117 = arith.constant 0 : i32
    %dma_wait3A_118 = tpu.memref_slice %arg11[%dma_wait3A_115, %dma_wait3A_116, %dma_wait3A_117] : memref<2x128x128xf32, #tpu.memory_space<vmem>> -> memref<1x128x128xf32, #tpu.memory_space<vmem>>
    %dma_wait3A_119 = tpu.memref_squeeze %dma_wait3A_118 : memref<1x128x128xf32, #tpu.memory_space<vmem>> -> memref<128x128xf32, #tpu.memory_space<vmem>>
    %dma_wait3A_120 = arith.constant 0 : i32
    %dma_wait3A_121 = arith.constant 0 : i32
    %dma_wait3A_122 = tpu.memref_slice %arg14[%dma_wait3A_120, %dma_wait3A_121] : memref<10240x128xf32, #tpu.memory_space<vmem_shared>> -> memref<128x128xf32, #tpu.memory_space<vmem_shared>>
    %dma_wait3A_123 = arith.constant 0 : i32
    %dma_wait3A_124 = arith.constant 0 : i32
    %dma_wait3A_125 = tpu.memref_slice %arg14[%dma_wait3A_123, %dma_wait3A_124] : memref<10240x128xf32, #tpu.memory_space<vmem_shared>> -> memref<128x128xf32, #tpu.memory_space<vmem_shared>>
    %dma_wait3A_126 = arith.constant 0 : i32
    %dma_wait3A_127 = arith.constant 0 : i32
    %dma_wait3A_128 = tpu.memref_slice %arg11[%dma_wait3A_115, %dma_wait3A_126, %dma_wait3A_127] : memref<2x128x128xf32, #tpu.memory_space<vmem>> -> memref<1x128x128xf32, #tpu.memory_space<vmem>>
    %dma_wait3A_129 = tpu.memref_squeeze %dma_wait3A_128 : memref<1x128x128xf32, #tpu.memory_space<vmem>> -> memref<128x128xf32, #tpu.memory_space<vmem>>
    tpu.wait_dma2 semaphore(%arg19 : memref<!tpu.dma_semaphore, #tpu.memory_space<semaphore_mem>>) src(%dma_wait3A_129 : memref<128x128xf32, #tpu.memory_space<vmem>>) dst(%dma_wait3A_125 : memref<128x128xf32, #tpu.memory_space<vmem_shared>>)
    %run_scoped3A_130 = arith.constant 0 : i32
    "tpu.region"() ({
      %run_scoped3A_144 = tpu.sem_alloc : memref<!tpu.dma_semaphore, #tpu.memory_space<semaphore_mem>>
      %dma_start3A_145 = arith.constant 0 : i32
      %dma_start3A_146 = tpu.memref_slice %arg13[%run_scoped3A_130, %dma_start3A_145] : memref<1x80xi32, #tpu.memory_space<vmem>> -> memref<1x80xi32, #tpu.memory_space<vmem>>
      %dma_start3A_147 = tpu.memref_squeeze %dma_start3A_146 : memref<1x80xi32, #tpu.memory_space<vmem>> -> memref<80xi32, #tpu.memory_space<vmem>>
      %dma_start3A_148 = arith.constant 0 : i32
      %dma_start3A_149 = arith.constant 0 : i32
      %dma_start3A_150 = tpu.memref_slice %arg15[%dma_start3A_148, %dma_start3A_149] : memref<80x128xf32, #tpu.memory_space<vmem_shared>> -> memref<80x128xf32, #tpu.memory_space<vmem_shared>>
      tpu.enqueue_indirect_dma source(%arg12 : memref<80x128xf32, #tpu.memory_space<vmem>>) target(%dma_start3A_150 : memref<80x128xf32, #tpu.memory_space<vmem_shared>>) offsets(%dma_start3A_147 : memref<80xi32, #tpu.memory_space<vmem>>) semaphore(%run_scoped3A_144 : memref<!tpu.dma_semaphore, #tpu.memory_space<semaphore_mem>>) {add = true}
      %dma_wait3A_151 = arith.constant 0 : i32
      %dma_wait3A_152 = tpu.memref_slice %arg13[%run_scoped3A_130, %dma_wait3A_151] : memref<1x80xi32, #tpu.memory_space<vmem>> -> memref<1x80xi32, #tpu.memory_space<vmem>>
      %dma_wait3A_153 = tpu.memref_squeeze %dma_wait3A_152 : memref<1x80xi32, #tpu.memory_space<vmem>> -> memref<80xi32, #tpu.memory_space<vmem>>
      %dma_wait3A_154 = arith.constant 0 : i32
      %dma_wait3A_155 = arith.constant 0 : i32
      %dma_wait3A_156 = tpu.memref_slice %arg15[%dma_wait3A_154, %dma_wait3A_155] : memref<80x128xf32, #tpu.memory_space<vmem_shared>> -> memref<80x128xf32, #tpu.memory_space<vmem_shared>>
      tpu.wait_indirect_dma semaphore(%run_scoped3A_144 : memref<!tpu.dma_semaphore, #tpu.memory_space<semaphore_mem>>) src(%arg12 : memref<80x128xf32, #tpu.memory_space<vmem>>) dst(%dma_wait3A_156 : memref<80x128xf32, #tpu.memory_space<vmem_shared>>)
      tpu.yield
    }) : () -> ()
    %barrier3A_131 = arith.constant 0 : index
    tpu.barrier barrier_id(%barrier3A_131)
    %scan3A_132 = arith.constant 0 : i32
    %scan3A_133 = arith.constant 0 : i32
    %scan3A_134 = arith.constant 5 : i32
    %scan3A_135 = arith.addi %scan3A_133, %scan3A_134 : i32
    %scan3A_136 = arith.constant 1 : i32
    %scan3A_137 = scf.for %scan3A_144 = %scan3A_133 to %scan3A_135 step %scan3A_136 iter_args(%scan3A_145 = %scan3A_132) -> (i32)  : i32 {
      %mul3A_146 = arith.constant 128 : i32
      %mul3A_147 = arith.muli %scan3A_144, %mul3A_146 : i32
      %add3A_148 = arith.addi %mul3A_2, %mul3A_147 : i32
      "tpu.region"() ({
        %run_scoped3A_150 = tpu.sem_alloc : memref<!tpu.dma_semaphore, #tpu.memory_space<semaphore_mem>>
        %dma_start3A_151 = arith.constant 0 : i32
        %dma_start3A_152 = tpu.memref_slice %arg5[%arg0, %add3A_148, %dma_start3A_151] : memref<2x10240x128xf32, #tpu.memory_space<hbm>> -> memref<1x128x128xf32, #tpu.memory_space<hbm>>
        %dma_start3A_153 = tpu.memref_squeeze %dma_start3A_152 : memref<1x128x128xf32, #tpu.memory_space<hbm>> -> memref<128x128xf32, #tpu.memory_space<hbm>>
        %dma_start3A_154 = arith.constant 0 : i32
        %dma_start3A_155 = tpu.memref_slice %arg14[%add3A_148, %dma_start3A_154] : memref<10240x128xf32, #tpu.memory_space<vmem_shared>> -> memref<128x128xf32, #tpu.memory_space<vmem_shared>>
        tpu.enqueue_dma source(%dma_start3A_155 : memref<128x128xf32, #tpu.memory_space<vmem_shared>>) target(%dma_start3A_153 : memref<128x128xf32, #tpu.memory_space<hbm>>) target_semaphore(%run_scoped3A_150 : memref<!tpu.dma_semaphore, #tpu.memory_space<semaphore_mem>>)
        %dma_wait3A_156 = arith.constant 0 : i32
        %dma_wait3A_157 = tpu.memref_slice %arg5[%arg0, %add3A_148, %dma_wait3A_156] : memref<2x10240x128xf32, #tpu.memory_space<hbm>> -> memref<1x128x128xf32, #tpu.memory_space<hbm>>
        %dma_wait3A_158 = tpu.memref_squeeze %dma_wait3A_157 : memref<1x128x128xf32, #tpu.memory_space<hbm>> -> memref<128x128xf32, #tpu.memory_space<hbm>>
        %dma_wait3A_159 = arith.constant 0 : i32
        %dma_wait3A_160 = tpu.memref_slice %arg14[%add3A_148, %dma_wait3A_159] : memref<10240x128xf32, #tpu.memory_space<vmem_shared>> -> memref<128x128xf32, #tpu.memory_space<vmem_shared>>
        tpu.wait_dma2 semaphore(%run_scoped3A_150 : memref<!tpu.dma_semaphore, #tpu.memory_space<semaphore_mem>>) src(%dma_wait3A_160 : memref<128x128xf32, #tpu.memory_space<vmem_shared>>) dst(%dma_wait3A_158 : memref<128x128xf32, #tpu.memory_space<hbm>>)
        tpu.yield
      }) : () -> ()
      %scan3A_149 = arith.constant 0 : i32
      scf.yield %scan3A_149 : i32
    }
    %scan3A_138 = arith.constant 5 : i32
    %eq3A_139 = arith.constant 0 : i32
    %eq3A_140 = arith.cmpi eq, %arg1, %eq3A_139 : i32
    %convert_element_type3A_141 = arith.extui %eq3A_140 : i1 to i32
    %cond3A_142 = arith.constant 0 : i32
    %cond3A_143 = arith.cmpi ne, %convert_element_type3A_141, %cond3A_142 : i32
    scf.if %cond3A_143 {
      "tpu.region"() ({
        %run_scoped3A_144 = tpu.sem_alloc : memref<!tpu.dma_semaphore, #tpu.memory_space<semaphore_mem>>
        tpu.enqueue_dma source(%arg15 : memref<80x128xf32, #tpu.memory_space<vmem_shared>>) target(%arg12 : memref<80x128xf32, #tpu.memory_space<vmem>>) target_semaphore(%run_scoped3A_144 : memref<!tpu.dma_semaphore, #tpu.memory_space<semaphore_mem>>)
        tpu.wait_dma2 semaphore(%run_scoped3A_144 : memref<!tpu.dma_semaphore, #tpu.memory_space<semaphore_mem>>) src(%arg15 : memref<80x128xf32, #tpu.memory_space<vmem_shared>>) dst(%arg12 : memref<80x128xf32, #tpu.memory_space<vmem>>)
        tpu.yield
      }) : () -> ()
      "tpu.region"() ({
        %run_scoped3A_144 = tpu.sem_alloc : memref<!tpu.dma_semaphore, #tpu.memory_space<semaphore_mem>>
        %dma_start3A_145 = arith.constant 0 : i32
        %dma_start3A_146 = arith.constant 0 : i32
        %dma_start3A_147 = tpu.memref_slice %arg6[%arg0, %dma_start3A_145, %dma_start3A_146] : memref<2x80x128xf32, #tpu.memory_space<hbm>> -> memref<1x80x128xf32, #tpu.memory_space<hbm>>
        %dma_start3A_148 = tpu.memref_squeeze %dma_start3A_147 : memref<1x80x128xf32, #tpu.memory_space<hbm>> -> memref<80x128xf32, #tpu.memory_space<hbm>>
        %dma_start3A_149 = arith.constant 0 : i32
        %dma_start3A_150 = arith.constant 0 : i32
        %dma_start3A_151 = tpu.memref_slice %arg6[%arg0, %dma_start3A_149, %dma_start3A_150] : memref<2x80x128xf32, #tpu.memory_space<hbm>> -> memref<1x80x128xf32, #tpu.memory_space<hbm>>
        %dma_start3A_152 = tpu.memref_squeeze %dma_start3A_151 : memref<1x80x128xf32, #tpu.memory_space<hbm>> -> memref<80x128xf32, #tpu.memory_space<hbm>>
        tpu.enqueue_dma source(%arg12 : memref<80x128xf32, #tpu.memory_space<vmem>>) target(%dma_start3A_152 : memref<80x128xf32, #tpu.memory_space<hbm>>) target_semaphore(%run_scoped3A_144 : memref<!tpu.dma_semaphore, #tpu.memory_space<semaphore_mem>>)
        %dma_wait3A_153 = arith.constant 0 : i32
        %dma_wait3A_154 = arith.constant 0 : i32
        %dma_wait3A_155 = tpu.memref_slice %arg6[%arg0, %dma_wait3A_153, %dma_wait3A_154] : memref<2x80x128xf32, #tpu.memory_space<hbm>> -> memref<1x80x128xf32, #tpu.memory_space<hbm>>
        %dma_wait3A_156 = tpu.memref_squeeze %dma_wait3A_155 : memref<1x80x128xf32, #tpu.memory_space<hbm>> -> memref<80x128xf32, #tpu.memory_space<hbm>>
        %dma_wait3A_157 = arith.constant 0 : i32
        %dma_wait3A_158 = arith.constant 0 : i32
        %dma_wait3A_159 = tpu.memref_slice %arg6[%arg0, %dma_wait3A_157, %dma_wait3A_158] : memref<2x80x128xf32, #tpu.memory_space<hbm>> -> memref<1x80x128xf32, #tpu.memory_space<hbm>>
        %dma_wait3A_160 = tpu.memref_squeeze %dma_wait3A_159 : memref<1x80x128xf32, #tpu.memory_space<hbm>> -> memref<80x128xf32, #tpu.memory_space<hbm>>
        tpu.wait_dma2 semaphore(%run_scoped3A_144 : memref<!tpu.dma_semaphore, #tpu.memory_space<semaphore_mem>>) src(%arg12 : memref<80x128xf32, #tpu.memory_space<vmem>>) dst(%dma_wait3A_160 : memref<80x128xf32, #tpu.memory_space<hbm>>)
        tpu.yield
      }) : () -> ()
    } else {
    }
    return
  }
}

module attributes {stable_mosaic.version = 14 : i64} {
  func.func @_tc_body(%arg0: i32, %arg1: memref<2x640x128xf32, #tpu.memory_space<vmem>>, %arg2: memref<2x640x1xf32, #tpu.memory_space<vmem>>, %arg3: memref<640x128xf32, #tpu.memory_space<vmem>>, %arg4: memref<128x128xf32, #tpu.memory_space<vmem>>, %arg5: memref<128x128xf32, #tpu.memory_space<vmem>>, %arg6: memref<1x128xf32, #tpu.memory_space<vmem>>, %arg7: memref<640x128xf32, #tpu.memory_space<vmem>>) attributes {dimension_semantics = [#tpu.dimension_semantics<arbitrary>], iteration_bounds = array<i64: 16>, scalar_prefetch = 0 : i64, scratch_operands = 0 : i64, tpu.core_type = #tpu.core_type<tc>, window_params = [{transform_indices = @transform_0, window_bounds = array<i64: 2, 640, 128>}, {transform_indices = @transform_1, window_bounds = array<i64: 2, 640, 1>}, {transform_indices = @transform_2, window_bounds = array<i64: 640, 128>}, {pipeline_mode = #tpu.pipeline_mode<synchronous>, transform_indices = @transform_3, window_bounds = array<i64: 128, 128>}, {pipeline_mode = #tpu.pipeline_mode<synchronous>, transform_indices = @transform_4, window_bounds = array<i64: 128, 128>}, {pipeline_mode = #tpu.pipeline_mode<synchronous>, transform_indices = @transform_5, window_bounds = array<i64: 1, 128>}, {transform_indices = @transform_6, window_bounds = array<i64: 640, 128>}]} {
    %get3A = arith.constant 0 : index
    %get3A_0 = arith.constant 0 : index
    %get3A_1 = arith.constant 0 : index
    %get3A_2 = vector.load %arg1[%get3A, %get3A_0, %get3A_1] : memref<2x640x128xf32, #tpu.memory_space<vmem>>, vector<1x640x128xf32>
    %get3A_3 = vector.shape_cast %get3A_2 : vector<1x640x128xf32> to vector<640x128xf32>
    %get3A_4 = arith.constant 1 : index
    %get3A_5 = arith.constant 0 : index
    %get3A_6 = arith.constant 0 : index
    %get3A_7 = vector.load %arg1[%get3A_4, %get3A_5, %get3A_6] : memref<2x640x128xf32, #tpu.memory_space<vmem>>, vector<1x640x128xf32>
    %get3A_8 = vector.shape_cast %get3A_7 : vector<1x640x128xf32> to vector<640x128xf32>
    %add3A = arith.addf %get3A_3, %get3A_8 : vector<640x128xf32>
    %get3A_9 = arith.constant 0 : index
    %get3A_10 = arith.constant 0 : index
    %get3A_11 = arith.constant 0 : index
    %get3A_12 = vector.load %arg2[%get3A_9, %get3A_10, %get3A_11] : memref<2x640x1xf32, #tpu.memory_space<vmem>>, vector<1x640x1xf32>
    %get3A_13 = vector.shape_cast %get3A_12 : vector<1x640x1xf32> to vector<640x1xf32>
    %get3A_14 = arith.constant 1 : index
    %get3A_15 = arith.constant 0 : index
    %get3A_16 = arith.constant 0 : index
    %get3A_17 = vector.load %arg2[%get3A_14, %get3A_15, %get3A_16] : memref<2x640x1xf32, #tpu.memory_space<vmem>>, vector<1x640x1xf32>
    %get3A_18 = vector.shape_cast %get3A_17 : vector<1x640x1xf32> to vector<640x1xf32>
    %add3A_19 = arith.addf %get3A_13, %get3A_18 : vector<640x1xf32>
    %max3A = arith.constant 1.000000e+00 : f32
    %max3A_20 = vector.broadcast %max3A : f32 to vector<640x1xf32>
    %max3A_21 = arith.maximumf %add3A_19, %max3A_20 : vector<640x1xf32>
    %div3A = vector.broadcast %max3A_21 : vector<640x1xf32> to vector<640x128xf32>
    %div3A_22 = arith.divf %add3A, %div3A : vector<640x128xf32>
    %get3A_23 = arith.constant 0 : index
    %get3A_24 = arith.constant 0 : index
    %get3A_25 = vector.load %arg3[%get3A_23, %get3A_24] : memref<640x128xf32, #tpu.memory_space<vmem>>, vector<640x128xf32>
    %get3A_26 = arith.constant 0 : index
    %get3A_27 = arith.constant 0 : index
    %get3A_28 = vector.load %arg4[%get3A_26, %get3A_27] : memref<128x128xf32, #tpu.memory_space<vmem>>, vector<128x128xf32>
    %dot_general3A = arith.constant dense<0.000000e+00> : vector<640x128xf32>
    %dot_general3A_29 = tpu.matmul %get3A_25, %get3A_28, %dot_general3A {dimension_numbers = #tpu.dot_dimension_numbers<[1], [1], [0], [0], [0, 0, 1, 0], [], []>, transpose_lhs_hint = false} : vector<640x128xf32>, vector<128x128xf32>, vector<640x128xf32> -> vector<640x128xf32>
    %get3A_30 = arith.constant 0 : index
    %get3A_31 = arith.constant 0 : index
    %get3A_32 = vector.load %arg5[%get3A_30, %get3A_31] : memref<128x128xf32, #tpu.memory_space<vmem>>, vector<128x128xf32>
    %dot_general3A_33 = arith.constant dense<0.000000e+00> : vector<640x128xf32>
    %dot_general3A_34 = tpu.matmul %div3A_22, %get3A_32, %dot_general3A_33 {dimension_numbers = #tpu.dot_dimension_numbers<[1], [1], [0], [0], [0, 0, 1, 0], [], []>, transpose_lhs_hint = false} : vector<640x128xf32>, vector<128x128xf32>, vector<640x128xf32> -> vector<640x128xf32>
    %add3A_35 = arith.addf %dot_general3A_29, %dot_general3A_34 : vector<640x128xf32>
    %get3A_36 = arith.constant 0 : index
    %get3A_37 = arith.constant 0 : index
    %get3A_38 = vector.load %arg6[%get3A_36, %get3A_37] : memref<1x128xf32, #tpu.memory_space<vmem>>, vector<1x128xf32>
    %add3A_39 = vector.broadcast %get3A_38 : vector<1x128xf32> to vector<640x128xf32>
    %add3A_40 = arith.addf %add3A_35, %add3A_39 : vector<640x128xf32>
    %swap3A = arith.constant 0 : index
    %swap3A_41 = arith.constant 0 : index
    %swap3A_42 = vector.load %arg7[%swap3A, %swap3A_41] : memref<640x128xf32, #tpu.memory_space<vmem>>, vector<640x128xf32>
    tpu.vector_store %arg7[%swap3A, %swap3A_41], %add3A_40 {strides = array<i32>} : memref<640x128xf32, #tpu.memory_space<vmem>>, vector<640x128xf32>,
    return
  }
  func.func @transform_0(%arg0: i32) -> (i32, i32, i32) {
    %c0_i32 = arith.constant 0 : i32
    %c0_i32_0 = arith.constant 0 : i32
    %c0_i32_1 = arith.constant 0 : i32
    return %c0_i32, %arg0, %c0_i32_0 : i32, i32, i32
  }
  func.func @transform_1(%arg0: i32) -> (i32, i32, i32) {
    %c0_i32 = arith.constant 0 : i32
    %c0_i32_0 = arith.constant 0 : i32
    %c0_i32_1 = arith.constant 0 : i32
    return %c0_i32, %arg0, %c0_i32_0 : i32, i32, i32
  }
  func.func @transform_2(%arg0: i32) -> (i32, i32) {
    %c0_i32 = arith.constant 0 : i32
    %c0_i32_0 = arith.constant 0 : i32
    return %arg0, %c0_i32 : i32, i32
  }
  func.func @transform_3(%arg0: i32) -> (i32, i32) {
    %c0_i32 = arith.constant 0 : i32
    %c0_i32_0 = arith.constant 0 : i32
    %c0_i32_1 = arith.constant 0 : i32
    return %c0_i32, %c0_i32_0 : i32, i32
  }
  func.func @transform_4(%arg0: i32) -> (i32, i32) {
    %c0_i32 = arith.constant 0 : i32
    %c0_i32_0 = arith.constant 0 : i32
    %c0_i32_1 = arith.constant 0 : i32
    return %c0_i32, %c0_i32_0 : i32, i32
  }
  func.func @transform_5(%arg0: i32) -> (i32, i32) {
    %c0_i32 = arith.constant 0 : i32
    %c0_i32_0 = arith.constant 0 : i32
    %c0_i32_1 = arith.constant 0 : i32
    return %c0_i32, %c0_i32_0 : i32, i32
  }
  func.func @transform_6(%arg0: i32) -> (i32, i32) {
    %c0_i32 = arith.constant 0 : i32
    %c0_i32_0 = arith.constant 0 : i32
    return %arg0, %c0_i32 : i32, i32
  }
}

</mosaic_0001>

<sc_bundles>
// kernel: kernel.4.cloned.1.call-start
scs
__scs_entry_jumppad:
0x0: {  	(pc) =	sbr.rel $0x88, $3  }
0x1: {  	(tag) =	ssettag $0x0;
	lr =	simm.s32 $0x1  }
0x2: {  	[smem:$0x3F9A] =	sst lr;
	_ =	strace $0xD0000000  }
0x3: {  	_ = 	snop  }
0x4: {  	_ = 	snop  }
0x5: {  	_ = 	snop  }
0x6: {  	_ = 	snop  }
0x7: {  	_ = 	snop  }
__scs_overlays_trampoline_lowered:
0x8: {  	[smem:$0x3FA9] =	sst s0  }
0x9: {  	[smem:$0x3FAA] =	sst s1  }
0xa: {  	[smem:$0x3FAB] =	sst s2  }
0xb: {  	[smem:$0x3FAC] =	sst s3  }
0xc: {  	[smem:$0x3FAD] =	sst s4  }
0xd: {  	[smem:$0x3FAE] =	sst s5  }
0xe: {  	[smem:$0x3FAF] =	sst s6  }
0xf: {  	[smem:$0x3FB0] =	sst s7  }
0x10: {  	[smem:$0x3FB1] =	sst s8  }
0x11: {  	[smem:$0x3FB2] =	sst s9;
	s0 =	simm.s32 @!p0 $0x0  }
0x12: {  	s1 =	sld [smem:$0x3F98];
	s0 =	simm.s32 @p0 $0x1  }
0x13: {  	[smem:$0x3FB3] =	sst s0;
	s0 =	simm.s32 @!p1 $0x0  }
0x14: {  	s2 =	sld [smem:$0x3F97];
	s0 =	simm.s32 @p1 $0x1  }
0x15: {  	[smem:$0x3FB4] =	sst s0;
	s0 =	simm.s32 @!p2 $0x0  }
0x16: {  	s3 =	sld [smem:$0x3FDB];
	s0 =	simm.s32 @p2 $0x1  }
0x17: {  	s4 =	simm.s32 $0x1BF5;
	[smem:$0x3FB6] =	sst s0  }
0x18: {  	s0 =	sld [smem:$0x3F99];
	_ =	swait.ge [sflag:s4], $0x0  }
0x19: {  	s7 =	sld [smem:$0x3F9A]  }
0x1a: {  	s8 =	sadd.s32 $0xFFFFE003, lr  }
0x1b: {  	s9 =	sadd.s32 $0xFFFFFEF7, lr;
	s5 =	simm.s32 $0xFFFFFFFF;
	p2 =	slt.u32 s8, $0xFFFFF086  }
0x1c: {  	p1 =	slt.u32 s9, $0xF7A;
	s5 =	simm.s32 @!p2 $0x0  }
0x1d: {  	s5 =	simm.s32 @p1 $0x1;
	p0 =	seq.s32 s7, s2  }
0x1e: {  	s7 =	smul.u32 @!p0 $0xF7A, s2;
	p2 =	seq.s32 @!p0 s5, $0x0  }
0x1f: {  	s9 =	smul.u32 $0xF7A, s1;
	s8 =	simm.s32 @!p0 $0x1BF5;
	p2 =	por !p2, p0  }
0x20: {  	[sflag:s8] =	ssyncset.s32 @!p0 $0xFFFFF086;
	s6 =	sadd.s32 @!p0 s3, s7;
	s7 =	simm.s32 @!p0 $0x108  }
0x21: {  	s3 =	sadd.s32 s3, s9;
	s6 =	sadd.s32 @!p0 $0x88, s6;
	s7 =	simm.s32 @p2 $0x1082  }
0x22: {  	[simem:s7], [sflag:s8] =	dma.local @!p0 [hbm:s6], $0xF7A  }
0x23: {  	s9 =	sor.u32 $0xD0000000, s2;
	s6 =	simm.s32 $0x108;
	_ =	swait.ge @!p0 [sflag:s8], $0x0  }
0x24: {  	s3 =	sadd.s32 $0x88, s3;
	s6 =	simm.s32 @!p1 $0x1082;
	[sflag:s4] =	ssyncset.s32 $0xFFFFF086  }
0x25: {  	[simem:s6], [sflag:s4] =	dma.local [hbm:s3], $0xF7A  }
0x26: {  	[smem:$0x3F9A] =	sst s1;
	(tag) =	ssettag s2;
	_ =	strace s9  }
0x27: {  	s1 =	sld [smem:$0x3FAA]  }
0x28: {  	s2 =	sld [smem:$0x3FAB]  }
0x29: {  	s4 =	sld [smem:$0x3FAD]  }
0x2a: {  	p0 =	seq.s32 s5, $0x0;
	s5 =	sld [smem:$0x3FAE]  }
0x2b: {  	s6 =	sld [smem:$0x3FAF]  }
0x2c: {  	s7 =	sld [smem:$0x3FB0]  }
0x2d: {  	s3 =	simm.s32 $0x108;
	s8 =	sld [smem:$0x3FB1]  }
0x2e: {  	s3 =	simm.s32 @!p0 $0x1082;
	s9 =	sld [smem:$0x3FB2]  }
0x2f: {  	lr =	sadd.s32 s0, s3;
	s0 =	sld [smem:$0x3FA9]  }
0x30: {  	s3 =	sld [smem:$0x3FAC]  }
0x31: {  	[smem:$0x3FB5] =	sst s10  }
0x32: {  	s10 =	sld [smem:$0x3FB3];
	_ =	sdelay $0x3  }
0x33: {  	p0 =	seq.s32 s10, $0x1;
	s10 =	sld [smem:$0x3FB5];
	_ =	sdelay $0x3  }
0x34: {  	[smem:$0x3FB5] =	sst s10  }
0x35: {  	s10 =	sld [smem:$0x3FB4];
	_ =	sdelay $0x3  }
0x36: {  	p1 =	seq.s32 s10, $0x1;
	s10 =	sld [smem:$0x3FB5];
	_ =	sdelay $0x3  }
0x37: {  	[smem:$0x3FB5] =	sst s10  }
0x38: {  	s10 =	sld [smem:$0x3FB6]  }
0x39: {  	_ = 	snop;
	(pc) =	sbr.ind lr, $3  }
0x3a: {  	_ = 	snop  }
0x3b: {  	_ = 	snop  }
0x3c: {  	p2 =	seq.s32 s10, $0x1;
	s10 =	sld [smem:$0x3FB5]  }
0x3d: {  	_ =	shalt  }
0x3e: {  	_ =	shalt  }
0x3f: {  	_ =	shalt  }
0x40: {  	_ =	shalt  }
0x41: {  	_ =	shalt  }
0x42: {  	_ =	shalt  }
0x43: {  	_ =	shalt  }
0x44: {  	_ =	shalt  }
0x45: {  	_ =	shalt  }
0x46: {  	_ =	shalt  }
0x47: {  	_ =	shalt  }
0x48: {  	_ =	shalt  }
0x49: {  	_ =	shalt  }
0x4a: {  	_ =	shalt  }
0x4b: {  	_ =	shalt  }
0x4c: {  	_ =	shalt  }
0x4d: {  	_ =	shalt  }
0x4e: {  	_ =	shalt  }
0x4f: {  	_ =	shalt  }
0x50: {  	_ =	shalt  }
0x51: {  	_ =	shalt  }
0x52: {  	_ =	shalt  }
0x53: {  	_ =	shalt  }
0x54: {  	_ =	shalt  }
0x55: {  	_ =	shalt  }
0x56: {  	_ =	shalt  }
0x57: {  	_ =	shalt  }
0x58: {  	_ =	shalt  }
0x59: {  	_ =	shalt  }
0x5a: {  	_ =	shalt  }
0x5b: {  	_ =	shalt  }
0x5c: {  	_ =	shalt  }
0x5d: {  	_ =	shalt  }
0x5e: {  	_ =	shalt  }
0x5f: {  	_ =	shalt  }
0x60: {  	_ =	shalt  }
0x61: {  	_ =	shalt  }
0x62: {  	_ =	shalt  }
0x63: {  	_ =	shalt  }
0x64: {  	_ =	shalt  }
0x65: {  	_ =	shalt  }
0x66: {  	_ =	shalt  }
0x67: {  	_ =	shalt  }
0x68: {  	_ =	shalt  }
0x69: {  	_ =	shalt  }
0x6a: {  	_ =	shalt  }
0x6b: {  	_ =	shalt  }
0x6c: {  	_ =	shalt  }
0x6d: {  	_ =	shalt  }
0x6e: {  	_ =	shalt  }
0x6f: {  	_ =	shalt  }
0x70: {  	_ =	shalt  }
0x71: {  	_ =	shalt  }
0x72: {  	_ =	shalt  }
0x73: {  	_ =	shalt  }
0x74: {  	_ =	shalt  }
0x75: {  	_ =	shalt  }
0x76: {  	_ =	shalt  }
0x77: {  	_ =	shalt  }
0x78: {  	_ =	shalt  }
0x79: {  	_ =	shalt  }
0x7a: {  	_ =	shalt  }
0x7b: {  	_ =	shalt  }
0x7c: {  	_ =	shalt  }
0x7d: {  	_ =	shalt  }
0x7e: {  	_ =	shalt  }
0x7f: {  	_ =	shalt  }
0x80: {  	_ =	shalt  }
0x81: {  	_ =	shalt  }
0x82: {  	_ =	shalt  }
0x83: {  	_ =	shalt  }
0x84: {  	_ =	shalt  }
0x85: {  	_ =	shalt  }
0x86: {  	_ =	shalt  }
0x87: {  	_ =	shalt  }
.Lfunc_end0:
.L_simem_size_0:
called_computation_lowered:
.L_overlay_start_0:
0x88: {  	s2 =	sld [smem:$0x3FD9]  }
0x89: {  	s3 =	sld [smem:$0x3FFE];
	_ =	sdelay $0x1  }
0x8a: {  	s1 =	srdreg.scid  }
0x8b: {  	s0 =	sand.u32 $0x1, s1  }
0x8c: {  	s17 =	sshll.u32 s0, $0xA;
	s2 =	sadd.s32 s3, s2  }
0x8d: {  	s2 =	sadd.s32 s2, s17  }
0x8e: {  	[smem:$0x3FC1] =	sst s2  }
0x8f: {  	_ = 	snop  }
0x90: {  	s2 =	sld [smem:$0x3FC9]  }
0x91: {  	s18 =	sld [smem:$0x3FD0];
	(tm) =	ssettm $0x1  }
0x92: {  	s4 =	sld [smem:$0x3FFB];
	_ =	sdelay $0x3  }
0x93: {  	_ =	strace s4  }
0x94: {  	s4 =	sld [smem:$0x3FFC];
	_ =	sdelay $0x3  }
0x95: {  	_ =	strace s4  }
0x96: {  	s4 =	sld [smem:$0x3FFD];
	_ =	sdelay $0x3  }
0x97: {  	_ =	strace s4  }
0x98: {  	_ =	strace $0x8FFFFFFF  }
0x99: {  	s19 =	sld [smem:$0x3FDB];
	_ =	sdelay $0x1  }
0x9a: {  	s5 =	simm.s32 $_scs_section_size  }
0x9b: {  	s6 =	simm.s32 $_size__tile_overlayer_lowered;
	s7 =	simm.s32 $_tile_overlayer_lowered  }
0x9c: {  	s22 =	simm.s32 $0x1BFF;
	s21 =	sshll.u32 s7, $0x1;
	s4 =	sadd.s32 s5, s19  }
0x9d: {  	s8 =	simm.s32 $0x0;
	s20 =	sshll.u32 s6, $0x1;
	s6 =	sadd.s32 s21, s4  }
0x9e: {  	[timem:s8], [sflag:s22] =	dma.local [hbm:s6], s20  }
0x9f: {  	_ =	swait.ge [sflag:s22], s20  }
0xa0: {  	s5 =	ssub.s32 $0x0, s20;
	[sflag:s22] =	ssyncset.done $0x0  }
0xa1: {  	[sflag:s22] =	ssyncadd.s32 s5;
	_ =	sdelay $0x1  }
0xa2: {  	s23 =	simm.s32 $0x1B8B  }
0xa3: {  	_ =	swait.ge [sflag:s23], $0x1  }
0xa4: {  	[sflag:s23] =	ssyncset.done $0x0  }
0xa5: {  	s25 =	simm.s32 $0x1B8E;
	s24 =	sld [smem:$0x3FFE];
	[sflag:s23] =	ssyncadd.s32 $0xFFFFFFFF  }
0xa6: {  	s26 =	simm.s32 $execute0_lowered;
	[smem:$0x3FD2] =	sst s25  }
0xa7: {  	s6 =	sshll.u32 s26, $0x1;
	_ =	strace $0x80000046;
	[dreg:$0x1] =	wrdreg $0xFFFFFFFF  }
0xa8: {  	s28 =	simm.s32 $_size_execute0_lowered;
	s4 =	sadd.s32 s4, s6;
	[dreg:$0x0] =	wrdreg $0x0  }
0xa9: {  	s6 =	sshll.u32 s28, $0x1;
	[dreg:$0x2] =	wrdreg s4  }
0xaa: {  	[dreg:$0x3] =	wrdreg s6  }
0xab: {  	[dreg:$0x4] =	wrdreg $0xC0  }
0xac: {  	_ =	task [dreg:s8], $0x5FFFF  }
0xad: {  	[dreg:$0x1] =	wrdreg $0xFFFFFFFF  }
0xae: {  	[dreg:$0x0] =	wrdreg $0x60  }
0xaf: {  	[dreg:$0x2] =	wrdreg s2  }
0xb0: {  	[dreg:$0x3] =	wrdreg s18  }
0xb1: {  	[dreg:$0x4] =	wrdreg s24  }
0xb2: {  	[dreg:$0x5] =	wrdreg $0xAC500  }
0xb3: {  	[dreg:$0x6] =	wrdreg $0x1EC500  }
0xb4: {  	[dreg:$0x7] =	wrdreg $0x9  }
0xb5: {  	_ =	task.clear_ibuf [dreg:s8], $0x8FFFF;
	_ =	strace $0x90000046  }
0xb6: {  	s29 =	simm.s32 $0x9;
	_ =	strace $0x80000048  }
0xb7: {  	_ =	swait.ge [sflag:s29], $0x1  }
0xb8: {  	[sflag:s29] =	ssyncadd.s32 $0xFFFFFFFF  }
0xb9: {  	_ =	strace $0x90000048  }
0xba: {  	_ =	sfence  }
0xbb: {  	s30 =	sld [smem:$0x0];
	_ =	sdelay $0x2  }
0xbc: {  	s31 =	sshll.u32 s1, $0xD;
	s1 =	sshrl.u32 s1, $0x2  }
0xbd: {  	s3 =	sand.u32 $0x4000, s31;
	s1 =	sadd.s32 s1, s30  }
0xbe: {  	s0 =	sor.u32 s3, s0;
	s1 =	sshll.u32 s1, $0x11  }
0xbf: {  	s0 =	sor.u32 s1, s0  }
0xc0: {  	s0 =	sadd.s32 $0x8F2B, s0  }
0xc1: {  	[sflag:s0] =	ssyncadd.remote.s32 $0x1  }
0xc2: {  	_ =	sfence.sel $0xFFFF  }
0xc3: {  	[dreg:$0x0] =	wrdreg $0xFFFFFFFF;
	(pc) =	sbr.abs _section_cstart, $3  }
0xc4: {  	[dreg:$0x1] =	wrdreg $0xFFFFFFFF  }
0xc5: {  	_ =	task.clear_ibuf [dreg:s8], $0x2FFFF;
	_ =	strace $0x9FFFFFFF  }
0xc6: {  	(tm) =	ssettm $0x7FFFFFFF  }
0xc7: {  	_ =	shalt  }
tec
execute0_lowered:
.L_overlay_start_1:
0x0: {  	(tag) =	ssettag $0x1  }
0x1: {  	s0 =	rddreg [dreg:$0x0]  }
0x2: {  	s1 =	rddreg [dreg:$0x1]  }
0x3: {  	s4 =	rddreg [dreg:$0x2]  }
0x4: {  	s2 =	rddreg [dreg:$0x3];
	s5 =	srdreg.scid  }
0x5: {  	s3 =	rddreg [dreg:$0x4];
	s22 =	stileid.u32  }
0x6: {  	s30 =	simm.s32 $0x400;
	s31 =	simm.s32 $0x6;
	s5 =	sand.u32 $0x1, s5  }
0x7: {  	s7 =	sadd.s32 $0x1400, s4;
	s8 =	sadd.s32 $0xBE00, s4;
	s12 =	smul.u32 $0x14000, s22  }
0x8: {  	s10 =	sshll.u32 s22, $0x5;
	s13 =	smul.u32 $0x50000, s22;
	p0 =	sne.s32 s22, $0x0  }
0x9: {  	s6 =	smul.u32 $0x500, s5;
	s9 =	ssub.s32 $0x2, s5;
	s11 =	sshll.u32 s5, $0x4  }
0xa: {  	s5 =	smul.u32 $0x140000, s5;
	s25 =	sshrl.u32 s9, $0x1;
	s26 =	sor.u32 s11, s10  }
0xb: {  	s16 =	sadd.s32 $0x4000, s12;
	s20 =	sadd.s32 $0xC000, s12;
	s21 =	sadd.s32 $0x10000, s12  }
0xc: {  	s4 =	sadd.s32 s6, s4;
	s6 =	ssub.s32 s9, s25;
	s14 =	sadd.s32 s1, s26  }
0xd: {  	s15 =	sadd.s32 s7, s26;
	s17 =	sadd.s32 s5, s12;
	s9 =	sor.u32 $0x200, s26  }
0xe: {  	s23 =	sadd.s32 s5, s20;
	s20 =	sadd.s32 s20, s2;
	[dreg:$0x6] =	wrdreg s14  }
0xf: {  	[dreg:$0x7] =	wrdreg s15;
	s15 =	sadd.s32 s5, s16;
	s14 =	sshrl.u32 s17, $0x3  }
0x10: {  	s17 =	sadd.s32 $0x8000, s12;
	s24 =	sshrl.u32 s23, $0x3;
	s25 =	sadd.s32 s1, s9  }
0x11: {  	s26 =	sadd.s32 s7, s9;
	s1 =	sadd.s32 s10, s1;
	s9 =	sshrl.u32 s13, $0x2  }
0x12: {  	s4 =	sadd.s32 $0xB400, s4;
	s13 =	sadd.s32 s12, s2;
	s16 =	sadd.s32 s16, s2  }
0x13: {  	s23 =	sadd.s32 s21, s2;
	s12 =	simm.s32 $0x5;
	s15 =	sshrl.u32 s15, $0x3  }
0x14: {  	s14 =	sadd.s32 s8, s14;
	s19 =	sadd.s32 s5, s17;
	[dreg:$0xd] =	wrdreg s25  }
0x15: {  	s5 =	sadd.s32 s5, s21;
	[dreg:$0xe] =	wrdreg s26;
	s17 =	sadd.s32 s17, s2  }
0x16: {  	s25 =	sshrl.u32 s16, $0x3;
	[dreg:$0x8] =	wrdreg s14;
	s18 =	sadd.s32 s8, s15  }
0x17: {  	s14 =	sshrl.u32 s19, $0x3;
	s5 =	sshrl.u32 s5, $0x3;
	s15 =	sadd.s32 s9, s2  }
0x18: {  	s26 =	sshrl.u32 s17, $0x3;
	[dreg:$0x9] =	wrdreg s18;
	s14 =	sadd.s32 s8, s14  }
0x19: {  	s9 =	simm.s32 $0x2;
	s5 =	sadd.s32 s8, s5;
	[dreg:$0xa] =	wrdreg s14  }
0x1a: {  	s18 =	sadd.s32 s11, s1;
	s14 =	sadd.s32 s8, s24;
	[dreg:$0xc] =	wrdreg s5  }
0x1b: {  	s1 =	sshrl.u32 s13, $0x3;
	[dreg:$0xb] =	wrdreg s14;
	s14 =	simm.s32 $0x0  }
0x1c: {  	s28 =	sadd.s32 $0xC000, s15;
	s8 =	sadd.s32 s10, s7;
	[smem:$0x7FF] =	sst s14  }
0x1d: {  	s10 =	smax.u32 s6, $0x1;
	_ =	strace $0x80000047;
	[dreg:$0xf] =	wrdreg s4  }
0x1e: {  	s19 =	sadd.s32 s11, s8;
	s11 =	sadd.s32 $0x4000, s15;
	[dreg:$0x10] =	wrdreg s10  }
0x1f: {  	s29 =	sadd.s32 $0x10000, s15;
	s13 =	simm.s32 $0x0;
	[dreg:$0x11] =	wrdreg s11  }
.Ltmp0:
0x20: {  	s24 =	sshrl.u32 s20, $0x3;
	[dreg:$0x12] =	wrdreg s1;
	(pc) =	sbr.rel .LBB2_1-.Ltmp0, $4  }
0x21: {  	s5 =	simm.s32 $0x180;
	s6 =	simm.s32 $0x4400;
	[dreg:$0x13] =	wrdreg s25  }
0x22: {  	v0 =	vlaneseq.u32;
	s7 =	simm.s32 $0x1;
	s8 =	simm.s32 $0x8400;
	[dreg:$0x14] =	wrdreg s26  }
0x23: {  	v1 =	vimm.f32 $0.0e+00;
	v6 =	vimm.f32 $1.000000000e+00;
	v2 =	vor.u32 $0x10, v0;
	s25 =	sshrl.u32 s23, $0x3;
	s26 =	sadd.s32 $0x8000, s15;
	s1 =	simm.s32 $0x100  }
0x24: {  	v3 =	vor.u32 $0x20, v0;
	v4 =	vor.u32 $0x30, v0;
	v5 =	vor.u32 $0x40, v0;
	s4 =	simm.s32 $0x80;
	s10 =	simm.s32 $0x3;
	s11 =	simm.s32 $0x4  }
.LBB2_8:
0x25: {  	_ =	swait.ge [sflag:s10], $0x4000  }
0x26: {  	[sflag:s10] =	ssyncset.done $0x0  }
0x27: {  	[sflag:s10] =	ssyncadd.s32 $0xFFFFC000  }
0x28: {  	_ =	swait.ge [sflag:s11], $0x4000  }
0x29: {  	[sflag:s11] =	ssyncset.done $0x0  }
0x2a: {  	s16 =	simm.s32 $0x50;
	s17 =	simm.s32 $0xAC00;
	[sflag:s11] =	ssyncadd.s32 $0xFFFFC000  }
0x2b: {  	[spmem:s3] =	stream.indirect.scatter.add.f32 [tilespmem:s8], [sflag:$0x6], $0x80, s17, s16, $0xb8;
	[tilespmem:$0x1EED0] =	vst v63  }
0x2c: {  	_ =	swait.ge [sflag:s31], $0x2800  }
0x2d: {  	[sflag:s31] =	ssyncset.done $0x0  }
0x2e: {  	[sflag:s31] =	ssyncadd.s32 $0xFFFFD800  }
0x2f: {  	s22 =	stileid.u32;
	[bflag:$0x0] =	sbarrier.arrive $0xFFFF  }
0x30: {  	s16 =	sshll.u32 s22, $0x6;
	s23 =	rddreg [dreg:$0x8]  }
0x31: {  	s16 =	sor.u32 $0x1C06, s16;
	s20 =	rddreg [dreg:$0x12]  }
0x32: {  	[hbm:s23], [sflag:s16] =	dma.local [spmem:s20], $0x800  }
0x33: {  	_ =	swait.ge [sflag:s31], $0x800  }
0x34: {  	[sflag:s31] =	ssyncset.done $0x0;
	s20 =	rddreg [dreg:$0x9]  }
0x35: {  	s21 =	rddreg [dreg:$0x13];
	[sflag:s31] =	ssyncadd.s32 $0xFFFFF800  }
0x36: {  	[hbm:s20], [sflag:s16] =	dma.local [spmem:s21], $0x800  }
0x37: {  	_ =	swait.ge [sflag:s31], $0x800  }
0x38: {  	[sflag:s31] =	ssyncset.done $0x0;
	s22 =	rddreg [dreg:$0xa]  }
0x39: {  	s23 =	rddreg [dreg:$0x14];
	[sflag:s31] =	ssyncadd.s32 $0xFFFFF800  }
0x3a: {  	[hbm:s22], [sflag:s16] =	dma.local [spmem:s23], $0x800  }
0x3b: {  	_ =	swait.ge [sflag:s31], $0x800  }
0x3c: {  	[sflag:s31] =	ssyncset.done $0x0  }
0x3d: {  	s21 =	rddreg [dreg:$0xb];
	[sflag:s31] =	ssyncadd.s32 $0xFFFFF800  }
0x3e: {  	[hbm:s21], [sflag:s16] =	dma.local [spmem:s24], $0x800  }
0x3f: {  	_ =	swait.ge [sflag:s31], $0x800  }
0x40: {  	[sflag:s31] =	ssyncset.done $0x0  }
0x41: {  	s22 =	rddreg [dreg:$0xc];
	[sflag:s31] =	ssyncadd.s32 $0xFFFFF800  }
0x42: {  	[hbm:s22], [sflag:s16] =	dma.local [spmem:s25], $0x800  }
0x43: {  	_ =	swait.ge [sflag:s31], $0x800  }
0x44: {  	[sflag:s31] =	ssyncset.done $0x0  }
0x45: {  	s17 =	simm.s32 @!p0 $0x6;
	s16 =	simm.s32 @!p0 $0x8400;
	[sflag:s31] =	ssyncadd.s32 $0xFFFFF800  }
0x46: {  	[tilespmem:s16], [sflag:$0x6] =	stream.linear.gather @!p0 [spmem:s3], $0x2800, $0x38;
	[tilespmem:$0x1EED0] =	vst v63  }
0x47: {  	_ =	swait.ge @!p0 [sflag:s17], $0x2800  }
0x48: {  	[sflag:s17] =	ssyncset.done @!p0 $0x0  }
0x49: {  	s20 =	simm.s32 @!p0 $0x0;
	s21 =	rddreg [dreg:$0xf];
	[sflag:s17] =	ssyncadd.s32 @!p0 $0xFFFFD800  }
0x4a: {  	[hbm4b:s21+s20] =	stream.linear.scatter @!p0 [tilespmem:s16], [sflag:$0x6], $0x2800, $0x38;
	[tilespmem:$0x1EED0] =	vst v63  }
0x4b: {  	_ =	swait.ge @!p0 [sflag:s17], $0x2800  }
0x4c: {  	s13 =	sadd.s32 $0x1, s13;
	s23 =	rddreg [dreg:$0x10]  }
0x4d: {  	p1 =	sne.s32 s13, s23  }
.Ltmp1:
0x4e: {  	_ = 	snop;
	(pc) =	sbr.rel @!p1 .LBB2_9-.Ltmp1, $3  }
0x4f: {  	_ =	sdelay $0x1  }
0x50: {  	[sflag:s17] =	ssyncset.done @!p0 $0x0  }
0x51: {  	[sflag:s17] =	ssyncadd.s32 @!p0 $0xFFFFD800  }
.LBB2_1:
0x52: {  	s16 =	simm.s32 $0x0;
	s17 =	simm.s32 $0x0  }
.LBB2_2:
0x53: {  	p1 =	sne.s32 s17, $0xFFC0  }
.Ltmp2:
0x54: {  	_ = 	snop;
	(pc) =	sbr.rel @p1 .LBB2_2-.Ltmp2, $4  }
0x55: {  	s20 =	sand.u32 $0xFE00, s17  }
0x56: {  	s21 =	sand.u32 $0x70, s16;
	s20 =	sshrl.u32 s20, $0x2  }
0x57: {  	s20 =	sor.u32 s21, s20  }
0x58: {  	s16 =	sadd.s32 $0x10, s16;
	s17 =	sadd.s32 $0x40, s17;
	[tilespmem:s20+$0x400] =	vst v1  }
0x59: {  	s16 =	simm.s32 $0x0  }
0x5a: {  	s17 =	sand.u32 $0xFE00, s16  }
0x5b: {  	s20 =	sand.u32 $0x70, s16;
	s21 =	sshrl.u32 s17, $0x2  }
0x5c: {  	s17 =	simm.s32 $0x40;
	s20 =	sor.u32 s20, s21  }
.LBB2_4:
0x5d: {  	p1 =	sne.s32 s17, $0x9FC0  }
0x5e: {  	[tilespmem:s20+$0x8400] =	vst v1;
	s16 =	sadd.s32 $0x10, s16;
	s20 =	smov.u32 s17;
	s17 =	sadd.s32 $0x40, s17  }
.Ltmp3:
0x5f: {  	(pc) =	sbr.rel @p1 .LBB2_4-.Ltmp3, $4  }
0x60: {  	_ = 	snop  }
0x61: {  	s20 =	sand.u32 $0xFE00, s20  }
0x62: {  	s21 =	sand.u32 $0x70, s16;
	s20 =	sshrl.u32 s20, $0x2  }
0x63: {  	s20 =	sor.u32 s21, s20  }
0x64: {  	[tilespmem:s20+$0x8400] =	vst v1  }
0x65: {  	[tilespmem:$0xAC00] =	vst v0  }
0x66: {  	[tilespmem:$0xAC10] =	vst v2  }
0x67: {  	[tilespmem:$0xAC20] =	vst v3  }
0x68: {  	[tilespmem:$0xAC30] =	vst v4  }
0x69: {  	[tilespmem:$0xAC40] =	vst v5  }
0x6a: {  	[spmem:s15] =	stream.linear.scatter [tilespmem:s30], [sflag:$0x6], $0x4000, $0x38;
	[tilespmem:$0x1EED0] =	vst v63  }
0x6b: {  	_ =	swait.ge [sflag:s31], $0x4000  }
0x6c: {  	[sflag:s31] =	ssyncset.done $0x0  }
0x6d: {  	s16 =	rddreg [dreg:$0x11];
	[sflag:s31] =	ssyncadd.s32 $0xFFFFC000  }
0x6e: {  	[spmem:s16] =	stream.linear.scatter [tilespmem:s30], [sflag:$0x6], $0x4000, $0x38;
	[tilespmem:$0x1EED0] =	vst v63  }
0x6f: {  	_ =	swait.ge [sflag:s31], $0x4000  }
0x70: {  	[sflag:s31] =	ssyncset.done $0x0  }
0x71: {  	[sflag:s31] =	ssyncadd.s32 $0xFFFFC000  }
0x72: {  	[spmem:s26] =	stream.linear.scatter [tilespmem:s30], [sflag:$0x6], $0x4000, $0x38;
	[tilespmem:$0x1EED0] =	vst v63  }
0x73: {  	_ =	swait.ge [sflag:s31], $0x4000  }
0x74: {  	[sflag:s31] =	ssyncset.done $0x0  }
0x75: {  	[sflag:s31] =	ssyncadd.s32 $0xFFFFC000  }
0x76: {  	[spmem:s28] =	stream.linear.scatter [tilespmem:s30], [sflag:$0x6], $0x4000, $0x38;
	[tilespmem:$0x1EED0] =	vst v63  }
0x77: {  	_ =	swait.ge [sflag:s31], $0x4000  }
0x78: {  	[sflag:s31] =	ssyncset.done $0x0  }
0x79: {  	[sflag:s31] =	ssyncadd.s32 $0xFFFFC000  }
0x7a: {  	[spmem:s29] =	stream.linear.scatter [tilespmem:s30], [sflag:$0x6], $0x4000, $0x38;
	[tilespmem:$0x1EED0] =	vst v63  }
0x7b: {  	_ =	swait.ge [sflag:s31], $0x4000  }
0x7c: {  	[sflag:s31] =	ssyncset.done $0x0  }
0x7d: {  	s16 =	simm.s32 @!p0 $0x8400;
	[sflag:s31] =	ssyncadd.s32 $0xFFFFC000  }
0x7e: {  	[spmem:s3] =	stream.linear.scatter @!p0 [tilespmem:s16], [sflag:$0x6], $0x2800, $0x38;
	[tilespmem:$0x1EED0] =	vst v63  }
0x7f: {  	s16 =	simm.s32 @!p0 $0x6  }
0x80: {  	_ =	swait.ge @!p0 [sflag:s16], $0x2800  }
0x81: {  	[sflag:s16] =	ssyncset.done @!p0 $0x0  }
0x82: {  	[sflag:s16] =	ssyncadd.s32 @!p0 $0xFFFFD800  }
0x83: {  	[bflag:$0x0] =	sbarrier.arrive $0xFFFF  }
0x84: {  	s16 =	simm.s32 $0x0;
	s17 =	rddreg [dreg:$0x6]  }
0x85: {  	[tilespmem:s16], [sflag:$0x6] =	stream.linear.gather [hbm4b:s17+s16], $0x80, $0x38;
	[tilespmem:$0x1EED0] =	vst v63  }
0x86: {  	_ =	swait.ge [sflag:s31], $0x80  }
0x87: {  	[sflag:s31] =	ssyncset.done $0x0  }
0x88: {  	s21 =	rddreg [dreg:$0x7];
	[sflag:s31] =	ssyncadd.s32 $0xFFFFFF80  }
0x89: {  	[tilespmem:s1], [sflag:$0x6] =	stream.linear.gather [hbm4b:s21+s16], $0x80, $0x38;
	[tilespmem:$0x1EED0] =	vst v63  }
0x8a: {  	_ =	swait.ge [sflag:s31], $0x80  }
0x8b: {  	[sflag:s31] =	ssyncset.done $0x0  }
0x8c: {  	s22 =	rddreg [dreg:$0xd];
	[sflag:s31] =	ssyncadd.s32 $0xFFFFFF80  }
0x8d: {  	[tilespmem:s4], [sflag:$0x6] =	stream.linear.gather [hbm4b:s22+s16], $0x80, $0x38;
	[tilespmem:$0x1EED0] =	vst v63  }
0x8e: {  	_ =	swait.ge [sflag:s31], $0x80  }
0x8f: {  	[sflag:s31] =	ssyncset.done $0x0  }
0x90: {  	s23 =	rddreg [dreg:$0xe];
	[sflag:s31] =	ssyncadd.s32 $0xFFFFFF80  }
0x91: {  	[tilespmem:s5], [sflag:$0x6] =	stream.linear.gather [hbm4b:s23+s16], $0x80, $0x38;
	[tilespmem:$0x1EED0] =	vst v63  }
0x92: {  	_ =	swait.ge [sflag:s31], $0x80  }
0x93: {  	[sflag:s31] =	ssyncset.done $0x0  }
0x94: {  	[sflag:s31] =	ssyncadd.s32 $0xFFFFFF80  }
0x95: {  	[tilespmem:s30], [sflag:$0x1] =	stream.indirect.gather [hbm4b:s0+s4], $0x80, s16, s4, $0xb8;
	[tilespmem:$0x1EED0] =	vst v63  }
0x96: {  	_ = 	snop  }
0x97: {  	[tilespmem:s6], [sflag:$0x2] =	stream.indirect.gather [hbm4b:s0+s4], $0x80, s4, s4, $0xb8;
	[tilespmem:$0x1EED0] =	vst v63  }
.LBB2_6:
0x98: {  	p1 =	seq.s32 s16, $0x9C00  }
0x99: {  	s17 =	sadd.s32 @!p1 s16, s18  }
0x9a: {  	s21 =	simm.s32 @!p1 $0x0;
	s22 =	simm.s32 @!p1 $0x200;
	s20 =	sadd.s32 @!p1 $0x400, s17  }
0x9b: {  	[tilespmem:s22], [sflag:$0x5] =	stream.linear.gather @!p1 [hbm4b:s20+s21], $0x80, $0x38;
	[tilespmem:$0x1EED0] =	vst v63  }
0x9c: {  	s20 =	sadd.s32 @!p1 s16, s19  }
0x9d: {  	s23 =	simm.s32 @!p1 $0x300;
	s22 =	sadd.s32 @!p1 $0x400, s20  }
0x9e: {  	[tilespmem:s23], [sflag:$0x5] =	stream.linear.gather @!p1 [hbm4b:s22+s21], $0x80, $0x38;
	[tilespmem:$0x1EED0] =	vst v63  }
0x9f: {  	s17 =	sadd.s32 @!p1 $0x600, s17;
	s22 =	simm.s32 @!p1 $0x280  }
0xa0: {  	[tilespmem:s22], [sflag:$0x5] =	stream.linear.gather @!p1 [hbm4b:s17+s21], $0x80, $0x38;
	[tilespmem:$0x1EED0] =	vst v63  }
0xa1: {  	s17 =	sadd.s32 @!p1 $0x600, s20;
	s20 =	simm.s32 @!p1 $0x380  }
0xa2: {  	[tilespmem:s20], [sflag:$0x5] =	stream.linear.gather @!p1 [hbm4b:s17+s21], $0x80, $0x38;
	[tilespmem:$0x1EED0] =	vst v63  }
0xa3: {  	_ =	swait.ge [sflag:s7], $0x4000  }
0xa4: {  	[sflag:s7] =	ssyncset.done $0x0  }
0xa5: {  	[sflag:s7] =	ssyncadd.s32 $0xFFFFC000  }
0xa6: {  	[spmem:s2] =	stream.indirect.scatter.add.f32 [tilespmem:s30], [sflag:$0x3], $0x80, s1, s4, $0xb8;
	[tilespmem:$0x1EED0] =	vst v63  }
0xa7: {  	v7 =	vld [tilespmem:$0x100];
	_ =	sdelay $0x7  }
0xa8: {  	[tilespmem:v7+s8+$0x0] =	vst.idx.add.f32.msk $0xffff, v6  }
0xa9: {  	v7 =	vld [tilespmem:$0x110];
	_ =	sdelay $0x7  }
0xaa: {  	[tilespmem:v7+s8+$0x0] =	vst.idx.add.f32.msk $0xffff, v6  }
0xab: {  	v7 =	vld [tilespmem:$0x120];
	_ =	sdelay $0x7  }
0xac: {  	[tilespmem:v7+s8+$0x0] =	vst.idx.add.f32.msk $0xffff, v6  }
0xad: {  	v7 =	vld [tilespmem:$0x130];
	_ =	sdelay $0x7  }
0xae: {  	[tilespmem:v7+s8+$0x0] =	vst.idx.add.f32.msk $0xffff, v6  }
0xaf: {  	v7 =	vld [tilespmem:$0x140];
	_ =	sdelay $0x7  }
0xb0: {  	[tilespmem:v7+s8+$0x0] =	vst.idx.add.f32.msk $0xffff, v6  }
0xb1: {  	v7 =	vld [tilespmem:$0x150];
	_ =	sdelay $0x7  }
0xb2: {  	[tilespmem:v7+s8+$0x0] =	vst.idx.add.f32.msk $0xffff, v6  }
0xb3: {  	v7 =	vld [tilespmem:$0x160];
	_ =	sdelay $0x7  }
0xb4: {  	[tilespmem:v7+s8+$0x0] =	vst.idx.add.f32.msk $0xffff, v6  }
0xb5: {  	v7 =	vld [tilespmem:$0x170];
	_ =	sdelay $0x7  }
0xb6: {  	[tilespmem:v7+s8+$0x0] =	vst.idx.add.f32.msk $0xffff, v6  }
0xb7: {  	_ =	swait.ge [sflag:s9], $0x4000  }
0xb8: {  	[sflag:s9] =	ssyncset.done $0x0  }
0xb9: {  	[sflag:s9] =	ssyncadd.s32 $0xFFFFC000  }
0xba: {  	[spmem:s2] =	stream.indirect.scatter.add.f32 [tilespmem:s6], [sflag:$0x4], $0x80, s5, s4, $0xb8;
	[tilespmem:$0x1EED0] =	vst v63  }
0xbb: {  	v7 =	vld [tilespmem:$0x180];
	_ =	sdelay $0x7  }
0xbc: {  	[tilespmem:v7+s8+$0x0] =	vst.idx.add.f32.msk $0xffff, v6  }
0xbd: {  	v7 =	vld [tilespmem:$0x190];
	_ =	sdelay $0x7  }
0xbe: {  	[tilespmem:v7+s8+$0x0] =	vst.idx.add.f32.msk $0xffff, v6  }
0xbf: {  	v7 =	vld [tilespmem:$0x1A0];
	_ =	sdelay $0x7  }
0xc0: {  	[tilespmem:v7+s8+$0x0] =	vst.idx.add.f32.msk $0xffff, v6  }
0xc1: {  	v7 =	vld [tilespmem:$0x1B0];
	_ =	sdelay $0x7  }
0xc2: {  	[tilespmem:v7+s8+$0x0] =	vst.idx.add.f32.msk $0xffff, v6  }
0xc3: {  	v7 =	vld [tilespmem:$0x1C0];
	_ =	sdelay $0x7  }
0xc4: {  	[tilespmem:v7+s8+$0x0] =	vst.idx.add.f32.msk $0xffff, v6  }
0xc5: {  	v7 =	vld [tilespmem:$0x1D0];
	_ =	sdelay $0x7  }
0xc6: {  	[tilespmem:v7+s8+$0x0] =	vst.idx.add.f32.msk $0xffff, v6  }
0xc7: {  	v7 =	vld [tilespmem:$0x1E0];
	_ =	sdelay $0x7  }
0xc8: {  	[tilespmem:v7+s8+$0x0] =	vst.idx.add.f32.msk $0xffff, v6  }
0xc9: {  	v7 =	vld [tilespmem:$0x1F0];
	_ =	sdelay $0x3  }
.Ltmp4:
0xca: {  	_ = 	snop;
	(pc) =	sbr.rel @p1 .LBB2_8-.Ltmp4, $2  }
0xcb: {  	_ =	sdelay $0x2  }
0xcc: {  	[tilespmem:v7+s8+$0x0] =	vst.idx.add.f32.msk $0xffff, v6  }
0xcd: {  	_ =	swait.ge [sflag:s12], $0x80  }
0xce: {  	[sflag:s12] =	ssyncset.done $0x0  }
0xcf: {  	[sflag:s12] =	ssyncadd.s32 $0xFFFFFF80  }
0xd0: {  	_ =	swait.ge [sflag:s12], $0x80  }
0xd1: {  	[sflag:s12] =	ssyncset.done $0x0  }
0xd2: {  	[sflag:s12] =	ssyncadd.s32 $0xFFFFFF80  }
0xd3: {  	_ =	swait.ge [sflag:s12], $0x80  }
0xd4: {  	[sflag:s12] =	ssyncset.done $0x0  }
0xd5: {  	[sflag:s12] =	ssyncadd.s32 $0xFFFFFF80  }
0xd6: {  	_ =	swait.ge [sflag:s12], $0x80  }
0xd7: {  	[sflag:s12] =	ssyncset.done $0x0  }
0xd8: {  	[sflag:s12] =	ssyncadd.s32 $0xFFFFFF80  }
0xd9: {  	_ =	swait.ge [sflag:s10], $0x4000  }
0xda: {  	[sflag:s10] =	ssyncset.done $0x0  }
0xdb: {  	[sflag:s10] =	ssyncadd.s32 $0xFFFFC000  }
0xdc: {  	v7 =	vld [tilespmem:$0x200]  }
0xdd: {  	v8 =	vld [tilespmem:$0x300]  }
0xde: {  	v9 =	vld [tilespmem:$0x210]  }
0xdf: {  	v10 =	vld [tilespmem:$0x310]  }
0xe0: {  	v11 =	vld [tilespmem:$0x220]  }
0xe1: {  	[tilespmem:$0x0] =	vst v7;
	v7 =	vld [tilespmem:$0x320]  }
0xe2: {  	v49 =	vld [tilespmem:$0x330];
	[tilespmem:$0x100] =	vst v8  }
0xe3: {  	v50 =	vld [tilespmem:$0x240];
	[tilespmem:$0x10] =	vst v9  }
0xe4: {  	v51 =	vld [tilespmem:$0x340];
	[tilespmem:$0x110] =	vst v10  }
0xe5: {  	v8 =	vld [tilespmem:$0x230];
	[tilespmem:$0x20] =	vst v11  }
0xe6: {  	[tilespmem:$0x120] =	vst v7;
	v7 =	vld [tilespmem:$0x250]  }
0xe7: {  	v52 =	vld [tilespmem:$0x260];
	[tilespmem:$0x130] =	vst v49  }
0xe8: {  	v53 =	vld [tilespmem:$0x360];
	[tilespmem:$0x40] =	vst v50  }
0xe9: {  	v54 =	vld [tilespmem:$0x270];
	[tilespmem:$0x140] =	vst v51  }
0xea: {  	[tilespmem:$0x30] =	vst v8;
	v8 =	vld [tilespmem:$0x350]  }
0xeb: {  	[tilespmem:$0x50] =	vst v7;
	v7 =	vld [tilespmem:$0x370]  }
0xec: {  	[tilespmem:$0x60] =	vst v52  }
0xed: {  	[tilespmem:$0x160] =	vst v53  }
0xee: {  	[tilespmem:$0x70] =	vst v54  }
0xef: {  	[tilespmem:$0x150] =	vst v8  }
0xf0: {  	[tilespmem:$0x170] =	vst v7  }
0xf1: {  	[tilespmem:s30], [sflag:$0x1] =	stream.indirect.gather [hbm4b:s0+s4], $0x80, s14, s4, $0xb8;
	[tilespmem:$0x1EED0] =	vst v63  }
0xf2: {  	_ =	swait.ge [sflag:s11], $0x4000  }
0xf3: {  	[sflag:s11] =	ssyncset.done $0x0  }
0xf4: {  	[sflag:s11] =	ssyncadd.s32 $0xFFFFC000  }
0xf5: {  	v7 =	vld [tilespmem:$0x280]  }
0xf6: {  	v8 =	vld [tilespmem:$0x380]  }
0xf7: {  	v55 =	vld [tilespmem:$0x290]  }
0xf8: {  	v56 =	vld [tilespmem:$0x390]  }
0xf9: {  	v57 =	vld [tilespmem:$0x2A0]  }
0xfa: {  	[tilespmem:$0x80] =	vst v7;
	v7 =	vld [tilespmem:$0x3A0]  }
0xfb: {  	v58 =	vld [tilespmem:$0x3B0];
	[tilespmem:$0x180] =	vst v8  }
0xfc: {  	v59 =	vld [tilespmem:$0x2C0];
	[tilespmem:$0x90] =	vst v55  }
0xfd: {  	v60 =	vld [tilespmem:$0x3C0];
	[tilespmem:$0x190] =	vst v56  }
0xfe: {  	v8 =	vld [tilespmem:$0x2B0];
	[tilespmem:$0xA0] =	vst v57  }
0xff: {  	[tilespmem:$0x1A0] =	vst v7;
	v7 =	vld [tilespmem:$0x2D0]  }
0x100: {  	v61 =	vld [tilespmem:$0x2E0];
	[tilespmem:$0x1B0] =	vst v58  }
0x101: {  	v62 =	vld [tilespmem:$0x3E0];
	[tilespmem:$0xC0] =	vst v59  }
0x102: {  	v63 =	vld [tilespmem:$0x2F0];
	[tilespmem:$0x1C0] =	vst v60  }
0x103: {  	[tilespmem:$0xB0] =	vst v8;
	v8 =	vld [tilespmem:$0x3D0]  }
0x104: {  	[tilespmem:$0xD0] =	vst v7;
	v7 =	vld [tilespmem:$0x3F0]  }
0x105: {  	[tilespmem:$0xE0] =	vst v61  }
.Ltmp5:
0x106: {  	[tilespmem:$0x1E0] =	vst v62;
	(pc) =	sbr.rel .LBB2_6-.Ltmp5, $4  }
0x107: {  	[tilespmem:$0xF0] =	vst v63  }
0x108: {  	[tilespmem:$0x1D0] =	vst v8  }
0x109: {  	s16 =	sadd.s32 $0x400, s16;
	[tilespmem:$0x1F0] =	vst v7  }
0x10a: {  	[tilespmem:s6], [sflag:$0x2] =	stream.indirect.gather [hbm4b:s0+s4], $0x80, s4, s4, $0xb8;
	[tilespmem:$0x1EED0] =	vst v63  }
.LBB2_9:
0x10b: {  	_ =	sfence.sel $0x180000  }
0x10c: {  	[bflag:$0x0] =	sbarrier.arrive $0xFFFF  }
0x10d: {  	_ =	strace $0x90000047  }
0x10e: {  	[bflag:$0x2] =	sbarrier.arrive $0xFFFF  }
0x10f: {  	s0 =	rddreg [dreg:$0x5]  }
0x110: {  	s0 =	sadd.s32 @!p0 $0x100000, s0  }
0x111: {  	[sflag:s0] =	ssyncadd.tile.s32 @!p0 $0x1;
	_ =	shalt  }
.Lfunc_end2:
_tile_overlayer_lowered:
.L_overlay_start_2:
0x112: {  	(tag) =	ssettag $0x2  }
0x113: {  	s0 =	rddreg [dreg:$0x0];
	s2 =	stileid.u32  }
0x114: {  	s1 =	rddreg [dreg:$0x1];
	p0 =	sne.s32 s2, $0x0  }
0x115: {  	s3 =	rddreg [dreg:$0x2];
	[bflag:$0x3] =	sbarrier.arrive $0xFFFF;
	s2 =	simm.s32 @!p0 $0x1C06  }
0x116: {  	[timem:s3], [sflag:s2] =	dma.local @!p0 [hbm:s0], s1  }
0x117: {  	s0 =	simm.s32 @!p0 $0x6  }
0x118: {  	_ =	swait.ge @!p0 [sflag:s0], s1  }
0x119: {  	s1 =	ssub.s32 @!p0 $0x0, s1;
	[sflag:s0] =	ssyncset.done @!p0 $0x0  }
0x11a: {  	[sflag:s0] =	ssyncadd.s32 @!p0 s1  }
0x11b: {  	[bflag:$0x3] =	sbarrier.arrive $0xFFFF  }
0x11c: {  	_ =	shalt  }

</sc_bundles>
